<compile_context>
chip_gen: v7x
topology: tpu7x:2x2x1
jax: 0.10.2.dev20260603
libtpu: 0.0.44.dev20260713+nightly
codegen_flags: <defaults>
</compile_context>

<pallas_src>
import functools

import jax
import jax.numpy as jnp
from jax import lax
from jax.experimental import pallas as pl
from jax.experimental.pallas import tpu as pltpu
from jax.experimental.pallas import tpu_sc as plsc

N_NODES = 10000
D = 128
E = 320000

NC = 2
NS = 16
NW = NC * NS

CHUNK = 64
CH_PER_W = 160
EPW = CHUNK * CH_PER_W
E_PAD = EPW * NW
CNT_CH_PER_W = 160
CNT_E_PAD = CNT_CH_PER_W * 64 * NW
N_PAD = 10112
ROWS_PER_TILE = N_PAD // NS


def _sc_agg_body(table, src_i, dst_i, zrows, agg_out,
                 src_v, rows_a, rows_b, db_a, db_b, agg_sh,
                 ga, gb, da, db):
    c = lax.axis_index("c")
    s = lax.axis_index("s")
    wid = c * NS + s
    r0 = s * ROWS_PER_TILE
    e0 = wid * EPW

    pltpu.sync_copy(zrows.at[pl.ds(r0, ROWS_PER_TILE)],
                    agg_sh.at[pl.ds(r0, ROWS_PER_TILE)])
    pltpu.sync_copy(src_i.at[pl.ds(wid * CH_PER_W, CH_PER_W)], src_v)

    plsc.subcore_barrier()

    rows = (rows_a, rows_b)
    dbuf = (db_a, db_b)
    gsem = (ga, gb)
    dsem = (da, db)

    def load_dst(j, p):
        pltpu.async_copy(dst_i.at[pl.ds(e0 + j * CHUNK, CHUNK)], dbuf[p], dsem[p])

    def wait_dst(p):
        pltpu.make_async_copy(dst_i.at[pl.ds(e0, CHUNK)], dbuf[p], dsem[p]).wait()

    def gather(j, p):
        pltpu.async_copy(table.at[src_v.at[j]], rows[p], gsem[p])

    def wait_gather(p):
        pltpu.make_async_copy(table.at[src_v.at[0]], rows[p], gsem[p]).wait()

    def scatter(p):
        pltpu.sync_copy(rows[p], agg_sh.at[dbuf[p]], add=True)

    gather(0, 0)
    load_dst(0, 0)
    gather(1, 1)
    load_dst(1, 1)

    def outer(i, carry):
        for b in range(2):
            j = 2 * i + b
            wait_gather(b)
            wait_dst(b)
            scatter(b)
            gather(j + 2, b)
            load_dst(j + 2, b)
        return carry

    lax.fori_loop(0, (CH_PER_W - 2) // 2, outer, 0)

    wait_gather(0)
    wait_dst(0)
    scatter(0)
    wait_gather(1)
    wait_dst(1)
    scatter(1)

    plsc.subcore_barrier()

    pltpu.sync_copy(agg_sh.at[pl.ds(r0, ROWS_PER_TILE)],
                    agg_out.at[c, pl.ds(r0, ROWS_PER_TILE)])


def _sc_cnt_body(dst_i, zrows, ones_h, cnt_out, dst_v, ones_v, cnt_sh):
    c = lax.axis_index("c")
    s = lax.axis_index("s")
    wid = c * NS + s
    r0 = s * ROWS_PER_TILE

    pltpu.sync_copy(zrows.at[pl.ds(r0, ROWS_PER_TILE)],
                    cnt_sh.at[pl.ds(r0, ROWS_PER_TILE)])
    pltpu.sync_copy(ones_h, ones_v)
    pltpu.sync_copy(dst_i.at[pl.ds(wid * CNT_CH_PER_W, CNT_CH_PER_W)], dst_v)

    plsc.subcore_barrier()

    def step(j, carry):
        pltpu.sync_copy(ones_v, cnt_sh.at[dst_v.at[j]], add=True)
        return carry

    lax.fori_loop(0, CNT_CH_PER_W, step, 0)

    plsc.subcore_barrier()

    pltpu.sync_copy(cnt_sh.at[pl.ds(r0, ROWS_PER_TILE)],
                    cnt_out.at[c, pl.ds(r0, ROWS_PER_TILE)])


@functools.lru_cache(maxsize=None)
def _make_sc_kernels():
    mesh = plsc.VectorSubcoreMesh(core_axis_name="c", subcore_axis_name="s",
                                  num_cores=NC, num_subcores=NS)
    agg = pl.kernel(
        _sc_agg_body,
        out_type=[jax.ShapeDtypeStruct((NC, N_PAD, D), jnp.float32)],
        mesh=mesh,
        scratch_types=[
            pltpu.VMEM((CH_PER_W, CHUNK), jnp.int32),
            pltpu.VMEM((CHUNK, D), jnp.float32),
            pltpu.VMEM((CHUNK, D), jnp.float32),
            pltpu.VMEM((CHUNK,), jnp.int32),
            pltpu.VMEM((CHUNK,), jnp.int32),
            pltpu.VMEM_SHARED((N_PAD, D), jnp.float32),
        ] + [pltpu.SemaphoreType.DMA] * 4,
    )
    cnt = pl.kernel(
        _sc_cnt_body,
        out_type=[jax.ShapeDtypeStruct((NC, N_PAD, D), jnp.float32)],
        mesh=mesh,
        scratch_types=[
            pltpu.VMEM((CNT_CH_PER_W, 64), jnp.int32),
            pltpu.VMEM((64, D), jnp.float32),
            pltpu.VMEM_SHARED((N_PAD, D), jnp.float32),
        ],
    )
    return agg, cnt


def _tc_body(relu, agg_ref, cnt_ref, x_ref, wl_ref, bl_ref, wr_ref, out_ref):
    agg = agg_ref[0, :N_NODES, :] + agg_ref[1, :N_NODES, :]
    cnt = cnt_ref[0, :N_NODES, 0:1] + cnt_ref[1, :N_NODES, 0:1]
    mean = agg / jnp.maximum(cnt, 1.0)
    out = lax.dot_general(mean, wl_ref[...], (((1,), (1,)), ((), ())),
                          preferred_element_type=jnp.float32)
    out = out + bl_ref[...][None, :]
    out = out + lax.dot_general(x_ref[...], wr_ref[...], (((1,), (1,)), ((), ())),
                                preferred_element_type=jnp.float32)
    if relu:
        out = jnp.maximum(out, 0.0)
    out_ref[...] = out


def _tc_layer(relu):
    return pl.pallas_call(
        functools.partial(_tc_body, relu),
        out_shape=jax.ShapeDtypeStruct((N_NODES, D), jnp.float32),
    )


_tc1 = _tc_layer(True)
_tc2 = _tc_layer(False)


def kernel(x, edge_index, W1l, b1l, W1r, W2l, b2l, W2r):
    src = edge_index[0].astype(jnp.int32)
    dst = edge_index[1].astype(jnp.int32)
    src_f = jnp.pad(src, (0, E_PAD - E)).reshape(NW * CH_PER_W, CHUNK)
    dst_f = jnp.pad(dst, (0, E_PAD - E), constant_values=N_NODES)
    dst_c = jnp.pad(dst, (0, CNT_E_PAD - E),
                    constant_values=N_NODES).reshape(NW * CNT_CH_PER_W, 64)
    zrows = jnp.zeros((N_PAD, D), jnp.float32)
    ones = jnp.ones((64, D), jnp.float32)

    sc_agg, sc_cnt = _make_sc_kernels()
    (cnt,) = sc_cnt(dst_c, zrows, ones)
    (agg1,) = sc_agg(x, src_f, dst_f, zrows)
    h = _tc1(agg1, cnt, x, W1l, b1l, W1r)
    (agg2,) = sc_agg(h, src_f, dst_f, zrows)
    out = _tc2(agg2, cnt, h, W2l, b2l, W2r)
    return out

# --- scband reference (transcript-rebuilt; emitter-appended) ---
"""Pipeline reference for scband-graph-sage-63522566308230 (READ-ONLY COPY).

The authoritative reference and input builder live on the scoring server;
editing this copy changes nothing except your own understanding.
"""

import jax, jax.numpy as jnp
import numpy as np

N_NODES = 10000
N_EDGES = 320000
D_IN = 128
D_HID = 128
D_OUT = 128


def setup_inputs(seed: int = 0) -> dict:
    key = jax.random.key(seed)
    ks = jax.random.split(key, 8)
    x = jax.random.normal(ks[0], (N_NODES, D_IN), dtype=jnp.float32)
    edge_index = jax.random.randint(ks[1], (2, N_EDGES), 0, N_NODES, dtype=jnp.int64)
    s1 = 1.0 / np.sqrt(D_IN)
    s2 = 1.0 / np.sqrt(D_HID)
    W1l = jax.random.uniform(ks[2], (D_HID, D_IN), jnp.float32, -s1, s1)
    b1l = jnp.zeros((D_HID,), jnp.float32)
    W1r = jax.random.uniform(ks[3], (D_HID, D_IN), jnp.float32, -s1, s1)
    W2l = jax.random.uniform(ks[4], (D_OUT, D_HID), jnp.float32, -s2, s2)
    b2l = jnp.zeros((D_OUT,), jnp.float32)
    W2r = jax.random.uniform(ks[5], (D_OUT, D_HID), jnp.float32, -s2, s2)
    return {"x": x, "edge_index": edge_index, "W1l": W1l, "b1l": b1l, "W1r": W1r, "W2l": W2l, "b2l": b2l, "W2r": W2r}


def sage_conv(x, src, dst, Wl, bl, Wr):
    # PyG SAGEConv with mean aggregation:
    # out_i = Wl @ mean_{j in N(i)} x_j + bl + Wr @ x_i
    msgs = x[src]                                        # gather (SparseCore)
    agg = jax.ops.segment_sum(msgs, dst, num_segments=N_NODES)
    cnt = jax.ops.segment_sum(jnp.ones((src.shape[0],), jnp.float32), dst, num_segments=N_NODES)
    mean = agg / jnp.clip(cnt, 1.0, None)[:, None]
    return mean @ Wl.T + bl + x @ Wr.T


def reference(x, edge_index, W1l, b1l, W1r, W2l, b2l, W2r):
    src = edge_index[0]
    dst = edge_index[1]
    h = sage_conv(x, src, dst, W1l, b1l, W1r)
    h = jax.nn.relu(h)
    # dropout is identity at inference time
    out = sage_conv(h, src, dst, W2l, b2l, W2r)
    return out

if __name__ == "__main__":
    import jax
    _d = setup_inputs()
    print(jax.jit(kernel)(*tuple(_d.values())))

</pallas_src>

<mosaic_0001>
#map = affine_map<(d0, d1) -> (0, 0)>
#map1 = affine_map<(d0, d1) -> (0)>
#map2 = affine_map<(d0, d1) -> (0, 0, 0)>
module attributes {stable_mosaic.version = 14 : i64} {
  func.func @_sc_agg_body(%arg0: i32, %arg1: i32, %arg2: memref<10000x128xf32, #tpu.memory_space<hbm>>, %arg3: memref<5120x64xi32, #tpu.memory_space<hbm>>, %arg4: memref<327680xi32, #tpu.memory_space<hbm>>, %arg5: memref<10112x128xf32, #tpu.memory_space<hbm>>, %arg6: memref<2x10112x128xf32, #tpu.memory_space<hbm>>, %arg7: memref<160x64xi32, #tpu.memory_space<vmem>>, %arg8: memref<64x128xf32, #tpu.memory_space<vmem>>, %arg9: memref<64x128xf32, #tpu.memory_space<vmem>>, %arg10: memref<64xi32, #tpu.memory_space<vmem>>, %arg11: memref<64xi32, #tpu.memory_space<vmem>>, %arg12: memref<10112x128xf32, #tpu.memory_space<vmem_shared>>, %arg13: memref<!tpu.dma_semaphore, #tpu.memory_space<semaphore_mem>>, %arg14: memref<!tpu.dma_semaphore, #tpu.memory_space<semaphore_mem>>, %arg15: memref<!tpu.dma_semaphore, #tpu.memory_space<semaphore_mem>>, %arg16: memref<!tpu.dma_semaphore, #tpu.memory_space<semaphore_mem>>) attributes {dimension_semantics = [#tpu.dimension_semantics<core_parallel>, #tpu.dimension_semantics<subcore_parallel>], iteration_bounds = array<i64: 2, 16>, scalar_prefetch = 0 : i64, scratch_operands = 10 : i64, tpu.core_type = #tpu.core_type<sc_vector_subcore>, window_params = [{transform_indices = #map}, {transform_indices = #map}, {transform_indices = #map1}, {transform_indices = #map}, {transform_indices = #map2}]} {
    %mul3A = arith.constant 16 : i32
    %mul3A_0 = arith.muli %arg0, %mul3A : i32
    %add3A = arith.addi %mul3A_0, %arg1 : i32
    %mul3A_1 = arith.constant 632 : i32
    %mul3A_2 = arith.muli %arg1, %mul3A_1 : i32
    %mul3A_3 = arith.constant 10240 : i32
    %mul3A_4 = arith.muli %add3A, %mul3A_3 : i32
    "tpu.region"() ({
      %run_scoped3A = tpu.sem_alloc : memref<!tpu.dma_semaphore, #tpu.memory_space<semaphore_mem>>
      %dma_start3A_51 = arith.constant 0 : i32
      %dma_start3A_52 = tpu.memref_slice %arg12[%mul3A_2, %dma_start3A_51] : memref<10112x128xf32, #tpu.memory_space<vmem_shared>> -> memref<632x128xf32, #tpu.memory_space<vmem_shared>>
      %dma_start3A_53 = arith.constant 0 : i32
      %dma_start3A_54 = tpu.memref_slice %arg5[%mul3A_2, %dma_start3A_53] : memref<10112x128xf32, #tpu.memory_space<hbm>> -> memref<632x128xf32, #tpu.memory_space<hbm>>
      tpu.enqueue_dma source(%dma_start3A_54 : memref<632x128xf32, #tpu.memory_space<hbm>>) target(%dma_start3A_52 : memref<632x128xf32, #tpu.memory_space<vmem_shared>>) target_semaphore(%run_scoped3A : memref<!tpu.dma_semaphore, #tpu.memory_space<semaphore_mem>>)
      %dma_wait3A_55 = arith.constant 0 : i32
      %dma_wait3A_56 = tpu.memref_slice %arg12[%mul3A_2, %dma_wait3A_55] : memref<10112x128xf32, #tpu.memory_space<vmem_shared>> -> memref<632x128xf32, #tpu.memory_space<vmem_shared>>
      %dma_wait3A_57 = arith.constant 0 : i32
      %dma_wait3A_58 = tpu.memref_slice %arg5[%mul3A_2, %dma_wait3A_57] : memref<10112x128xf32, #tpu.memory_space<hbm>> -> memref<632x128xf32, #tpu.memory_space<hbm>>
      tpu.wait_dma2 semaphore(%run_scoped3A : memref<!tpu.dma_semaphore, #tpu.memory_space<semaphore_mem>>) src(%dma_wait3A_58 : memref<632x128xf32, #tpu.memory_space<hbm>>) dst(%dma_wait3A_56 : memref<632x128xf32, #tpu.memory_space<vmem_shared>>)
      tpu.yield
    }) : () -> ()
    %mul3A_5 = arith.constant 160 : i32
    %mul3A_6 = arith.muli %add3A, %mul3A_5 : i32
    "tpu.region"() ({
      %run_scoped3A = tpu.sem_alloc : memref<!tpu.dma_semaphore, #tpu.memory_space<semaphore_mem>>
      %dma_start3A_51 = arith.constant 0 : i32
      %dma_start3A_52 = tpu.memref_slice %arg3[%mul3A_6, %dma_start3A_51] : memref<5120x64xi32, #tpu.memory_space<hbm>> -> memref<160x64xi32, #tpu.memory_space<hbm>>
      %dma_start3A_53 = arith.constant 0 : i32
      %dma_start3A_54 = tpu.memref_slice %arg3[%mul3A_6, %dma_start3A_53] : memref<5120x64xi32, #tpu.memory_space<hbm>> -> memref<160x64xi32, #tpu.memory_space<hbm>>
      tpu.enqueue_dma source(%dma_start3A_54 : memref<160x64xi32, #tpu.memory_space<hbm>>) target(%arg7 : memref<160x64xi32, #tpu.memory_space<vmem>>) target_semaphore(%run_scoped3A : memref<!tpu.dma_semaphore, #tpu.memory_space<semaphore_mem>>)
      %dma_wait3A_55 = arith.constant 0 : i32
      %dma_wait3A_56 = tpu.memref_slice %arg3[%mul3A_6, %dma_wait3A_55] : memref<5120x64xi32, #tpu.memory_space<hbm>> -> memref<160x64xi32, #tpu.memory_space<hbm>>
      %dma_wait3A_57 = arith.constant 0 : i32
      %dma_wait3A_58 = tpu.memref_slice %arg3[%mul3A_6, %dma_wait3A_57] : memref<5120x64xi32, #tpu.memory_space<hbm>> -> memref<160x64xi32, #tpu.memory_space<hbm>>
      tpu.wait_dma2 semaphore(%run_scoped3A : memref<!tpu.dma_semaphore, #tpu.memory_space<semaphore_mem>>) src(%dma_wait3A_58 : memref<160x64xi32, #tpu.memory_space<hbm>>) dst(%arg7 : memref<160x64xi32, #tpu.memory_space<vmem>>)
      tpu.yield
    }) : () -> ()
    %barrier3A = arith.constant 0 : index
    tpu.barrier barrier_id(%barrier3A)
    %dma_start3A = arith.constant 0 : i32
    %dma_start3A_7 = arith.constant 0 : i32
    %dma_start3A_8 = tpu.memref_slice %arg7[%dma_start3A, %dma_start3A_7] : memref<160x64xi32, #tpu.memory_space<vmem>> -> memref<1x64xi32, #tpu.memory_space<vmem>>
    %dma_start3A_9 = tpu.memref_squeeze %dma_start3A_8 : memref<1x64xi32, #tpu.memory_space<vmem>> -> memref<64xi32, #tpu.memory_space<vmem>>
    %dma_start3A_10 = arith.constant 0 : i32
    %dma_start3A_11 = arith.constant 0 : i32
    %dma_start3A_12 = tpu.memref_slice %arg2[%dma_start3A_10, %dma_start3A_11] : memref<10000x128xf32, #tpu.memory_space<hbm>> -> memref<10000x128xf32, #tpu.memory_space<hbm>>
    tpu.enqueue_indirect_dma source(%dma_start3A_12 : memref<10000x128xf32, #tpu.memory_space<hbm>>) target(%arg8 : memref<64x128xf32, #tpu.memory_space<vmem>>) offsets(%dma_start3A_9 : memref<64xi32, #tpu.memory_space<vmem>>) semaphore(%arg13 : memref<!tpu.dma_semaphore, #tpu.memory_space<semaphore_mem>>)
    %add3A_13 = arith.constant 0 : i32
    %add3A_14 = arith.addi %mul3A_4, %add3A_13 : i32
    %dma_start3A_15 = tpu.memref_slice %arg4[%add3A_14] : memref<327680xi32, #tpu.memory_space<hbm>> -> memref<64xi32, #tpu.memory_space<hbm>>
    %dma_start3A_16 = tpu.memref_slice %arg4[%add3A_14] : memref<327680xi32, #tpu.memory_space<hbm>> -> memref<64xi32, #tpu.memory_space<hbm>>
    tpu.enqueue_dma source(%dma_start3A_16 : memref<64xi32, #tpu.memory_space<hbm>>) target(%arg10 : memref<64xi32, #tpu.memory_space<vmem>>) target_semaphore(%arg15 : memref<!tpu.dma_semaphore, #tpu.memory_space<semaphore_mem>>)
    %dma_start3A_17 = arith.constant 1 : i32
    %dma_start3A_18 = arith.constant 0 : i32
    %dma_start3A_19 = tpu.memref_slice %arg7[%dma_start3A_17, %dma_start3A_18] : memref<160x64xi32, #tpu.memory_space<vmem>> -> memref<1x64xi32, #tpu.memory_space<vmem>>
    %dma_start3A_20 = tpu.memref_squeeze %dma_start3A_19 : memref<1x64xi32, #tpu.memory_space<vmem>> -> memref<64xi32, #tpu.memory_space<vmem>>
    %dma_start3A_21 = arith.constant 0 : i32
    %dma_start3A_22 = arith.constant 0 : i32
    %dma_start3A_23 = tpu.memref_slice %arg2[%dma_start3A_21, %dma_start3A_22] : memref<10000x128xf32, #tpu.memory_space<hbm>> -> memref<10000x128xf32, #tpu.memory_space<hbm>>
    tpu.enqueue_indirect_dma source(%dma_start3A_23 : memref<10000x128xf32, #tpu.memory_space<hbm>>) target(%arg9 : memref<64x128xf32, #tpu.memory_space<vmem>>) offsets(%dma_start3A_20 : memref<64xi32, #tpu.memory_space<vmem>>) semaphore(%arg14 : memref<!tpu.dma_semaphore, #tpu.memory_space<semaphore_mem>>)
    %add3A_24 = arith.constant 64 : i32
    %add3A_25 = arith.addi %mul3A_4, %add3A_24 : i32
    %dma_start3A_26 = tpu.memref_slice %arg4[%add3A_25] : memref<327680xi32, #tpu.memory_space<hbm>> -> memref<64xi32, #tpu.memory_space<hbm>>
    %dma_start3A_27 = tpu.memref_slice %arg4[%add3A_25] : memref<327680xi32, #tpu.memory_space<hbm>> -> memref<64xi32, #tpu.memory_space<hbm>>
    tpu.enqueue_dma source(%dma_start3A_27 : memref<64xi32, #tpu.memory_space<hbm>>) target(%arg11 : memref<64xi32, #tpu.memory_space<vmem>>) target_semaphore(%arg16 : memref<!tpu.dma_semaphore, #tpu.memory_space<semaphore_mem>>)
    %scan3A = arith.constant 0 : i32
    %scan3A_28 = arith.constant 0 : i32
    %scan3A_29 = arith.constant 79 : i32
    %scan3A_30 = arith.addi %scan3A_28, %scan3A_29 : i32
    %scan3A_31 = arith.constant 1 : i32
    scf.for %scan3A_51 = %scan3A_28 to %scan3A_30 step %scan3A_31  : i32 {
      %mul3A_52 = arith.constant 2 : i32
      %mul3A_53 = arith.muli %mul3A_52, %scan3A_51 : i32
      %add3A_54 = arith.constant 0 : i32
      %add3A_55 = arith.addi %mul3A_53, %add3A_54 : i32
      %dma_wait3A_56 = arith.constant 0 : i32
      %dma_wait3A_57 = arith.constant 0 : i32
      %dma_wait3A_58 = tpu.memref_slice %arg7[%dma_wait3A_56, %dma_wait3A_57] : memref<160x64xi32, #tpu.memory_space<vmem>> -> memref<1x64xi32, #tpu.memory_space<vmem>>
      %dma_wait3A_59 = tpu.memref_squeeze %dma_wait3A_58 : memref<1x64xi32, #tpu.memory_space<vmem>> -> memref<64xi32, #tpu.memory_space<vmem>>
      %dma_wait3A_60 = arith.constant 0 : i32
      %dma_wait3A_61 = arith.constant 0 : i32
      %dma_wait3A_62 = tpu.memref_slice %arg2[%dma_wait3A_60, %dma_wait3A_61] : memref<10000x128xf32, #tpu.memory_space<hbm>> -> memref<10000x128xf32, #tpu.memory_space<hbm>>
      tpu.wait_indirect_dma semaphore(%arg13 : memref<!tpu.dma_semaphore, #tpu.memory_space<semaphore_mem>>) src(%dma_wait3A_62 : memref<10000x128xf32, #tpu.memory_space<hbm>>) dst(%arg8 : memref<64x128xf32, #tpu.memory_space<vmem>>)
      %dma_wait3A_63 = tpu.memref_slice %arg4[%mul3A_4] : memref<327680xi32, #tpu.memory_space<hbm>> -> memref<64xi32, #tpu.memory_space<hbm>>
      %dma_wait3A_64 = tpu.memref_slice %arg4[%mul3A_4] : memref<327680xi32, #tpu.memory_space<hbm>> -> memref<64xi32, #tpu.memory_space<hbm>>
      tpu.wait_dma2 semaphore(%arg15 : memref<!tpu.dma_semaphore, #tpu.memory_space<semaphore_mem>>) src(%dma_wait3A_64 : memref<64xi32, #tpu.memory_space<hbm>>) dst(%arg10 : memref<64xi32, #tpu.memory_space<vmem>>)
      "tpu.region"() ({
        %run_scoped3A = tpu.sem_alloc : memref<!tpu.dma_semaphore, #tpu.memory_space<semaphore_mem>>
        %dma_start3A_108 = arith.constant 0 : i32
        %dma_start3A_109 = arith.constant 0 : i32
        %dma_start3A_110 = tpu.memref_slice %arg12[%dma_start3A_108, %dma_start3A_109] : memref<10112x128xf32, #tpu.memory_space<vmem_shared>> -> memref<10112x128xf32, #tpu.memory_space<vmem_shared>>
        tpu.enqueue_indirect_dma source(%arg8 : memref<64x128xf32, #tpu.memory_space<vmem>>) target(%dma_start3A_110 : memref<10112x128xf32, #tpu.memory_space<vmem_shared>>) offsets(%arg10 : memref<64xi32, #tpu.memory_space<vmem>>) semaphore(%run_scoped3A : memref<!tpu.dma_semaphore, #tpu.memory_space<semaphore_mem>>) {add = true}
        %dma_wait3A_111 = arith.constant 0 : i32
        %dma_wait3A_112 = arith.constant 0 : i32
        %dma_wait3A_113 = tpu.memref_slice %arg12[%dma_wait3A_111, %dma_wait3A_112] : memref<10112x128xf32, #tpu.memory_space<vmem_shared>> -> memref<10112x128xf32, #tpu.memory_space<vmem_shared>>
        tpu.wait_indirect_dma semaphore(%run_scoped3A : memref<!tpu.dma_semaphore, #tpu.memory_space<semaphore_mem>>) src(%arg8 : memref<64x128xf32, #tpu.memory_space<vmem>>) dst(%dma_wait3A_113 : memref<10112x128xf32, #tpu.memory_space<vmem_shared>>)
        tpu.yield
      }) : () -> ()
      %add3A_65 = arith.constant 2 : i32
      %add3A_66 = arith.addi %add3A_55, %add3A_65 : i32
      %dma_start3A_67 = arith.constant 0 : i32
      %dma_start3A_68 = tpu.memref_slice %arg7[%add3A_66, %dma_start3A_67] : memref<160x64xi32, #tpu.memory_space<vmem>> -> memref<1x64xi32, #tpu.memory_space<vmem>>
      %dma_start3A_69 = tpu.memref_squeeze %dma_start3A_68 : memref<1x64xi32, #tpu.memory_space<vmem>> -> memref<64xi32, #tpu.memory_space<vmem>>
      %dma_start3A_70 = arith.constant 0 : i32
      %dma_start3A_71 = arith.constant 0 : i32
      %dma_start3A_72 = tpu.memref_slice %arg2[%dma_start3A_70, %dma_start3A_71] : memref<10000x128xf32, #tpu.memory_space<hbm>> -> memref<10000x128xf32, #tpu.memory_space<hbm>>
      tpu.enqueue_indirect_dma source(%dma_start3A_72 : memref<10000x128xf32, #tpu.memory_space<hbm>>) target(%arg8 : memref<64x128xf32, #tpu.memory_space<vmem>>) offsets(%dma_start3A_69 : memref<64xi32, #tpu.memory_space<vmem>>) semaphore(%arg13 : memref<!tpu.dma_semaphore, #tpu.memory_space<semaphore_mem>>)
      %add3A_73 = arith.constant 2 : i32
      %add3A_74 = arith.addi %add3A_55, %add3A_73 : i32
      %mul3A_75 = arith.constant 64 : i32
      %mul3A_76 = arith.muli %add3A_74, %mul3A_75 : i32
      %add3A_77 = arith.addi %mul3A_4, %mul3A_76 : i32
      %dma_start3A_78 = tpu.memref_slice %arg4[%add3A_77] : memref<327680xi32, #tpu.memory_space<hbm>> -> memref<64xi32, #tpu.memory_space<hbm>>
      %dma_start3A_79 = tpu.memref_slice %arg4[%add3A_77] : memref<327680xi32, #tpu.memory_space<hbm>> -> memref<64xi32, #tpu.memory_space<hbm>>
      tpu.enqueue_dma source(%dma_start3A_79 : memref<64xi32, #tpu.memory_space<hbm>>) target(%arg10 : memref<64xi32, #tpu.memory_space<vmem>>) target_semaphore(%arg15 : memref<!tpu.dma_semaphore, #tpu.memory_space<semaphore_mem>>)
      %mul3A_80 = arith.constant 2 : i32
      %mul3A_81 = arith.muli %mul3A_80, %scan3A_51 : i32
      %add3A_82 = arith.constant 1 : i32
      %add3A_83 = arith.addi %mul3A_81, %add3A_82 : i32
      %dma_wait3A_84 = arith.constant 0 : i32
      %dma_wait3A_85 = arith.constant 0 : i32
      %dma_wait3A_86 = tpu.memref_slice %arg7[%dma_wait3A_84, %dma_wait3A_85] : memref<160x64xi32, #tpu.memory_space<vmem>> -> memref<1x64xi32, #tpu.memory_space<vmem>>
      %dma_wait3A_87 = tpu.memref_squeeze %dma_wait3A_86 : memref<1x64xi32, #tpu.memory_space<vmem>> -> memref<64xi32, #tpu.memory_space<vmem>>
      %dma_wait3A_88 = arith.constant 0 : i32
      %dma_wait3A_89 = arith.constant 0 : i32
      %dma_wait3A_90 = tpu.memref_slice %arg2[%dma_wait3A_88, %dma_wait3A_89] : memref<10000x128xf32, #tpu.memory_space<hbm>> -> memref<10000x128xf32, #tpu.memory_space<hbm>>
      tpu.wait_indirect_dma semaphore(%arg14 : memref<!tpu.dma_semaphore, #tpu.memory_space<semaphore_mem>>) src(%dma_wait3A_90 : memref<10000x128xf32, #tpu.memory_space<hbm>>) dst(%arg9 : memref<64x128xf32, #tpu.memory_space<vmem>>)
      %dma_wait3A_91 = tpu.memref_slice %arg4[%mul3A_4] : memref<327680xi32, #tpu.memory_space<hbm>> -> memref<64xi32, #tpu.memory_space<hbm>>
      %dma_wait3A_92 = tpu.memref_slice %arg4[%mul3A_4] : memref<327680xi32, #tpu.memory_space<hbm>> -> memref<64xi32, #tpu.memory_space<hbm>>
      tpu.wait_dma2 semaphore(%arg16 : memref<!tpu.dma_semaphore, #tpu.memory_space<semaphore_mem>>) src(%dma_wait3A_92 : memref<64xi32, #tpu.memory_space<hbm>>) dst(%arg11 : memref<64xi32, #tpu.memory_space<vmem>>)
      "tpu.region"() ({
        %run_scoped3A = tpu.sem_alloc : memref<!tpu.dma_semaphore, #tpu.memory_space<semaphore_mem>>
        %dma_start3A_108 = arith.constant 0 : i32
        %dma_start3A_109 = arith.constant 0 : i32
        %dma_start3A_110 = tpu.memref_slice %arg12[%dma_start3A_108, %dma_start3A_109] : memref<10112x128xf32, #tpu.memory_space<vmem_shared>> -> memref<10112x128xf32, #tpu.memory_space<vmem_shared>>
        tpu.enqueue_indirect_dma source(%arg9 : memref<64x128xf32, #tpu.memory_space<vmem>>) target(%dma_start3A_110 : memref<10112x128xf32, #tpu.memory_space<vmem_shared>>) offsets(%arg11 : memref<64xi32, #tpu.memory_space<vmem>>) semaphore(%run_scoped3A : memref<!tpu.dma_semaphore, #tpu.memory_space<semaphore_mem>>) {add = true}
        %dma_wait3A_111 = arith.constant 0 : i32
        %dma_wait3A_112 = arith.constant 0 : i32
        %dma_wait3A_113 = tpu.memref_slice %arg12[%dma_wait3A_111, %dma_wait3A_112] : memref<10112x128xf32, #tpu.memory_space<vmem_shared>> -> memref<10112x128xf32, #tpu.memory_space<vmem_shared>>
        tpu.wait_indirect_dma semaphore(%run_scoped3A : memref<!tpu.dma_semaphore, #tpu.memory_space<semaphore_mem>>) src(%arg9 : memref<64x128xf32, #tpu.memory_space<vmem>>) dst(%dma_wait3A_113 : memref<10112x128xf32, #tpu.memory_space<vmem_shared>>)
        tpu.yield
      }) : () -> ()
      %add3A_93 = arith.constant 2 : i32
      %add3A_94 = arith.addi %add3A_83, %add3A_93 : i32
      %dma_start3A_95 = arith.constant 0 : i32
      %dma_start3A_96 = tpu.memref_slice %arg7[%add3A_94, %dma_start3A_95] : memref<160x64xi32, #tpu.memory_space<vmem>> -> memref<1x64xi32, #tpu.memory_space<vmem>>
      %dma_start3A_97 = tpu.memref_squeeze %dma_start3A_96 : memref<1x64xi32, #tpu.memory_space<vmem>> -> memref<64xi32, #tpu.memory_space<vmem>>
      %dma_start3A_98 = arith.constant 0 : i32
      %dma_start3A_99 = arith.constant 0 : i32
      %dma_start3A_100 = tpu.memref_slice %arg2[%dma_start3A_98, %dma_start3A_99] : memref<10000x128xf32, #tpu.memory_space<hbm>> -> memref<10000x128xf32, #tpu.memory_space<hbm>>
      tpu.enqueue_indirect_dma source(%dma_start3A_100 : memref<10000x128xf32, #tpu.memory_space<hbm>>) target(%arg9 : memref<64x128xf32, #tpu.memory_space<vmem>>) offsets(%dma_start3A_97 : memref<64xi32, #tpu.memory_space<vmem>>) semaphore(%arg14 : memref<!tpu.dma_semaphore, #tpu.memory_space<semaphore_mem>>)
      %add3A_101 = arith.constant 2 : i32
      %add3A_102 = arith.addi %add3A_83, %add3A_101 : i32
      %mul3A_103 = arith.constant 64 : i32
      %mul3A_104 = arith.muli %add3A_102, %mul3A_103 : i32
      %add3A_105 = arith.addi %mul3A_4, %mul3A_104 : i32
      %dma_start3A_106 = tpu.memref_slice %arg4[%add3A_105] : memref<327680xi32, #tpu.memory_space<hbm>> -> memref<64xi32, #tpu.memory_space<hbm>>
      %dma_start3A_107 = tpu.memref_slice %arg4[%add3A_105] : memref<327680xi32, #tpu.memory_space<hbm>> -> memref<64xi32, #tpu.memory_space<hbm>>
      tpu.enqueue_dma source(%dma_start3A_107 : memref<64xi32, #tpu.memory_space<hbm>>) target(%arg11 : memref<64xi32, #tpu.memory_space<vmem>>) target_semaphore(%arg16 : memref<!tpu.dma_semaphore, #tpu.memory_space<semaphore_mem>>)
    }
    %scan3A_32 = arith.constant 79 : i32
    %dma_wait3A = arith.constant 0 : i32
    %dma_wait3A_33 = arith.constant 0 : i32
    %dma_wait3A_34 = tpu.memref_slice %arg7[%dma_wait3A, %dma_wait3A_33] : memref<160x64xi32, #tpu.memory_space<vmem>> -> memref<1x64xi32, #tpu.memory_space<vmem>>
    %dma_wait3A_35 = tpu.memref_squeeze %dma_wait3A_34 : memref<1x64xi32, #tpu.memory_space<vmem>> -> memref<64xi32, #tpu.memory_space<vmem>>
    %dma_wait3A_36 = arith.constant 0 : i32
    %dma_wait3A_37 = arith.constant 0 : i32
    %dma_wait3A_38 = tpu.memref_slice %arg2[%dma_wait3A_36, %dma_wait3A_37] : memref<10000x128xf32, #tpu.memory_space<hbm>> -> memref<10000x128xf32, #tpu.memory_space<hbm>>
    tpu.wait_indirect_dma semaphore(%arg13 : memref<!tpu.dma_semaphore, #tpu.memory_space<semaphore_mem>>) src(%dma_wait3A_38 : memref<10000x128xf32, #tpu.memory_space<hbm>>) dst(%arg8 : memref<64x128xf32, #tpu.memory_space<vmem>>)
    %dma_wait3A_39 = tpu.memref_slice %arg4[%mul3A_4] : memref<327680xi32, #tpu.memory_space<hbm>> -> memref<64xi32, #tpu.memory_space<hbm>>
    %dma_wait3A_40 = tpu.memref_slice %arg4[%mul3A_4] : memref<327680xi32, #tpu.memory_space<hbm>> -> memref<64xi32, #tpu.memory_space<hbm>>
    tpu.wait_dma2 semaphore(%arg15 : memref<!tpu.dma_semaphore, #tpu.memory_space<semaphore_mem>>) src(%dma_wait3A_40 : memref<64xi32, #tpu.memory_space<hbm>>) dst(%arg10 : memref<64xi32, #tpu.memory_space<vmem>>)
    "tpu.region"() ({
      %run_scoped3A = tpu.sem_alloc : memref<!tpu.dma_semaphore, #tpu.memory_space<semaphore_mem>>
      %dma_start3A_51 = arith.constant 0 : i32
      %dma_start3A_52 = arith.constant 0 : i32
      %dma_start3A_53 = tpu.memref_slice %arg12[%dma_start3A_51, %dma_start3A_52] : memref<10112x128xf32, #tpu.memory_space<vmem_shared>> -> memref<10112x128xf32, #tpu.memory_space<vmem_shared>>
      tpu.enqueue_indirect_dma source(%arg8 : memref<64x128xf32, #tpu.memory_space<vmem>>) target(%dma_start3A_53 : memref<10112x128xf32, #tpu.memory_space<vmem_shared>>) offsets(%arg10 : memref<64xi32, #tpu.memory_space<vmem>>) semaphore(%run_scoped3A : memref<!tpu.dma_semaphore, #tpu.memory_space<semaphore_mem>>) {add = true}
      %dma_wait3A_54 = arith.constant 0 : i32
      %dma_wait3A_55 = arith.constant 0 : i32
      %dma_wait3A_56 = tpu.memref_slice %arg12[%dma_wait3A_54, %dma_wait3A_55] : memref<10112x128xf32, #tpu.memory_space<vmem_shared>> -> memref<10112x128xf32, #tpu.memory_space<vmem_shared>>
      tpu.wait_indirect_dma semaphore(%run_scoped3A : memref<!tpu.dma_semaphore, #tpu.memory_space<semaphore_mem>>) src(%arg8 : memref<64x128xf32, #tpu.memory_space<vmem>>) dst(%dma_wait3A_56 : memref<10112x128xf32, #tpu.memory_space<vmem_shared>>)
      tpu.yield
    }) : () -> ()
    %dma_wait3A_41 = arith.constant 0 : i32
    %dma_wait3A_42 = arith.constant 0 : i32
    %dma_wait3A_43 = tpu.memref_slice %arg7[%dma_wait3A_41, %dma_wait3A_42] : memref<160x64xi32, #tpu.memory_space<vmem>> -> memref<1x64xi32, #tpu.memory_space<vmem>>
    %dma_wait3A_44 = tpu.memref_squeeze %dma_wait3A_43 : memref<1x64xi32, #tpu.memory_space<vmem>> -> memref<64xi32, #tpu.memory_space<vmem>>
    %dma_wait3A_45 = arith.constant 0 : i32
    %dma_wait3A_46 = arith.constant 0 : i32
    %dma_wait3A_47 = tpu.memref_slice %arg2[%dma_wait3A_45, %dma_wait3A_46] : memref<10000x128xf32, #tpu.memory_space<hbm>> -> memref<10000x128xf32, #tpu.memory_space<hbm>>
    tpu.wait_indirect_dma semaphore(%arg14 : memref<!tpu.dma_semaphore, #tpu.memory_space<semaphore_mem>>) src(%dma_wait3A_47 : memref<10000x128xf32, #tpu.memory_space<hbm>>) dst(%arg9 : memref<64x128xf32, #tpu.memory_space<vmem>>)
    %dma_wait3A_48 = tpu.memref_slice %arg4[%mul3A_4] : memref<327680xi32, #tpu.memory_space<hbm>> -> memref<64xi32, #tpu.memory_space<hbm>>
    %dma_wait3A_49 = tpu.memref_slice %arg4[%mul3A_4] : memref<327680xi32, #tpu.memory_space<hbm>> -> memref<64xi32, #tpu.memory_space<hbm>>
    tpu.wait_dma2 semaphore(%arg16 : memref<!tpu.dma_semaphore, #tpu.memory_space<semaphore_mem>>) src(%dma_wait3A_49 : memref<64xi32, #tpu.memory_space<hbm>>) dst(%arg11 : memref<64xi32, #tpu.memory_space<vmem>>)
    "tpu.region"() ({
      %run_scoped3A = tpu.sem_alloc : memref<!tpu.dma_semaphore, #tpu.memory_space<semaphore_mem>>
      %dma_start3A_51 = arith.constant 0 : i32
      %dma_start3A_52 = arith.constant 0 : i32
      %dma_start3A_53 = tpu.memref_slice %arg12[%dma_start3A_51, %dma_start3A_52] : memref<10112x128xf32, #tpu.memory_space<vmem_shared>> -> memref<10112x128xf32, #tpu.memory_space<vmem_shared>>
      tpu.enqueue_indirect_dma source(%arg9 : memref<64x128xf32, #tpu.memory_space<vmem>>) target(%dma_start3A_53 : memref<10112x128xf32, #tpu.memory_space<vmem_shared>>) offsets(%arg11 : memref<64xi32, #tpu.memory_space<vmem>>) semaphore(%run_scoped3A : memref<!tpu.dma_semaphore, #tpu.memory_space<semaphore_mem>>) {add = true}
      %dma_wait3A_54 = arith.constant 0 : i32
      %dma_wait3A_55 = arith.constant 0 : i32
      %dma_wait3A_56 = tpu.memref_slice %arg12[%dma_wait3A_54, %dma_wait3A_55] : memref<10112x128xf32, #tpu.memory_space<vmem_shared>> -> memref<10112x128xf32, #tpu.memory_space<vmem_shared>>
      tpu.wait_indirect_dma semaphore(%run_scoped3A : memref<!tpu.dma_semaphore, #tpu.memory_space<semaphore_mem>>) src(%arg9 : memref<64x128xf32, #tpu.memory_space<vmem>>) dst(%dma_wait3A_56 : memref<10112x128xf32, #tpu.memory_space<vmem_shared>>)
      tpu.yield
    }) : () -> ()
    %barrier3A_50 = arith.constant 0 : index
    tpu.barrier barrier_id(%barrier3A_50)
    "tpu.region"() ({
      %run_scoped3A = tpu.sem_alloc : memref<!tpu.dma_semaphore, #tpu.memory_space<semaphore_mem>>
      %dma_start3A_51 = arith.constant 0 : i32
      %dma_start3A_52 = tpu.memref_slice %arg6[%arg0, %mul3A_2, %dma_start3A_51] : memref<2x10112x128xf32, #tpu.memory_space<hbm>> -> memref<1x632x128xf32, #tpu.memory_space<hbm>>
      %dma_start3A_53 = tpu.memref_squeeze %dma_start3A_52 : memref<1x632x128xf32, #tpu.memory_space<hbm>> -> memref<632x128xf32, #tpu.memory_space<hbm>>
      %dma_start3A_54 = arith.constant 0 : i32
      %dma_start3A_55 = tpu.memref_slice %arg12[%mul3A_2, %dma_start3A_54] : memref<10112x128xf32, #tpu.memory_space<vmem_shared>> -> memref<632x128xf32, #tpu.memory_space<vmem_shared>>
      tpu.enqueue_dma source(%dma_start3A_55 : memref<632x128xf32, #tpu.memory_space<vmem_shared>>) target(%dma_start3A_53 : memref<632x128xf32, #tpu.memory_space<hbm>>) target_semaphore(%run_scoped3A : memref<!tpu.dma_semaphore, #tpu.memory_space<semaphore_mem>>)
      %dma_wait3A_56 = arith.constant 0 : i32
      %dma_wait3A_57 = tpu.memref_slice %arg6[%arg0, %mul3A_2, %dma_wait3A_56] : memref<2x10112x128xf32, #tpu.memory_space<hbm>> -> memref<1x632x128xf32, #tpu.memory_space<hbm>>
      %dma_wait3A_58 = tpu.memref_squeeze %dma_wait3A_57 : memref<1x632x128xf32, #tpu.memory_space<hbm>> -> memref<632x128xf32, #tpu.memory_space<hbm>>
      %dma_wait3A_59 = arith.constant 0 : i32
      %dma_wait3A_60 = tpu.memref_slice %arg12[%mul3A_2, %dma_wait3A_59] : memref<10112x128xf32, #tpu.memory_space<vmem_shared>> -> memref<632x128xf32, #tpu.memory_space<vmem_shared>>
      tpu.wait_dma2 semaphore(%run_scoped3A : memref<!tpu.dma_semaphore, #tpu.memory_space<semaphore_mem>>) src(%dma_wait3A_60 : memref<632x128xf32, #tpu.memory_space<vmem_shared>>) dst(%dma_wait3A_58 : memref<632x128xf32, #tpu.memory_space<hbm>>)
      tpu.yield
    }) : () -> ()
    return
  }
}

#map = affine_map<(d0, d1) -> (0, 0)>
#map1 = affine_map<(d0, d1) -> (0, 0, 0)>
module attributes {stable_mosaic.version = 14 : i64} {
  func.func @_sc_cnt_body(%arg0: i32, %arg1: i32, %arg2: memref<5120x64xi32, #tpu.memory_space<hbm>>, %arg3: memref<10112x128xf32, #tpu.memory_space<hbm>>, %arg4: memref<64x128xf32, #tpu.memory_space<hbm>>, %arg5: memref<2x10112x128xf32, #tpu.memory_space<hbm>>, %arg6: memref<160x64xi32, #tpu.memory_space<vmem>>, %arg7: memref<64x128xf32, #tpu.memory_space<vmem>>, %arg8: memref<10112x128xf32, #tpu.memory_space<vmem_shared>>) attributes {dimension_semantics = [#tpu.dimension_semantics<core_parallel>, #tpu.dimension_semantics<subcore_parallel>], iteration_bounds = array<i64: 2, 16>, scalar_prefetch = 0 : i64, scratch_operands = 3 : i64, tpu.core_type = #tpu.core_type<sc_vector_subcore>, window_params = [{transform_indices = #map}, {transform_indices = #map}, {transform_indices = #map}, {transform_indices = #map1}]} {
    %mul3A = arith.constant 16 : i32
    %mul3A_0 = arith.muli %arg0, %mul3A : i32
    %add3A = arith.addi %mul3A_0, %arg1 : i32
    %mul3A_1 = arith.constant 632 : i32
    %mul3A_2 = arith.muli %arg1, %mul3A_1 : i32
    "tpu.region"() ({
      %run_scoped3A = tpu.sem_alloc : memref<!tpu.dma_semaphore, #tpu.memory_space<semaphore_mem>>
      %dma_start3A = arith.constant 0 : i32
      %dma_start3A_11 = tpu.memref_slice %arg8[%mul3A_2, %dma_start3A] : memref<10112x128xf32, #tpu.memory_space<vmem_shared>> -> memref<632x128xf32, #tpu.memory_space<vmem_shared>>
      %dma_start3A_12 = arith.constant 0 : i32
      %dma_start3A_13 = tpu.memref_slice %arg3[%mul3A_2, %dma_start3A_12] : memref<10112x128xf32, #tpu.memory_space<hbm>> -> memref<632x128xf32, #tpu.memory_space<hbm>>
      tpu.enqueue_dma source(%dma_start3A_13 : memref<632x128xf32, #tpu.memory_space<hbm>>) target(%dma_start3A_11 : memref<632x128xf32, #tpu.memory_space<vmem_shared>>) target_semaphore(%run_scoped3A : memref<!tpu.dma_semaphore, #tpu.memory_space<semaphore_mem>>)
      %dma_wait3A = arith.constant 0 : i32
      %dma_wait3A_14 = tpu.memref_slice %arg8[%mul3A_2, %dma_wait3A] : memref<10112x128xf32, #tpu.memory_space<vmem_shared>> -> memref<632x128xf32, #tpu.memory_space<vmem_shared>>
      %dma_wait3A_15 = arith.constant 0 : i32
      %dma_wait3A_16 = tpu.memref_slice %arg3[%mul3A_2, %dma_wait3A_15] : memref<10112x128xf32, #tpu.memory_space<hbm>> -> memref<632x128xf32, #tpu.memory_space<hbm>>
      tpu.wait_dma2 semaphore(%run_scoped3A : memref<!tpu.dma_semaphore, #tpu.memory_space<semaphore_mem>>) src(%dma_wait3A_16 : memref<632x128xf32, #tpu.memory_space<hbm>>) dst(%dma_wait3A_14 : memref<632x128xf32, #tpu.memory_space<vmem_shared>>)
      tpu.yield
    }) : () -> ()
    "tpu.region"() ({
      %run_scoped3A = tpu.sem_alloc : memref<!tpu.dma_semaphore, #tpu.memory_space<semaphore_mem>>
      tpu.enqueue_dma source(%arg4 : memref<64x128xf32, #tpu.memory_space<hbm>>) target(%arg7 : memref<64x128xf32, #tpu.memory_space<vmem>>) target_semaphore(%run_scoped3A : memref<!tpu.dma_semaphore, #tpu.memory_space<semaphore_mem>>)
      tpu.wait_dma2 semaphore(%run_scoped3A : memref<!tpu.dma_semaphore, #tpu.memory_space<semaphore_mem>>) src(%arg4 : memref<64x128xf32, #tpu.memory_space<hbm>>) dst(%arg7 : memref<64x128xf32, #tpu.memory_space<vmem>>)
      tpu.yield
    }) : () -> ()
    %mul3A_3 = arith.constant 160 : i32
    %mul3A_4 = arith.muli %add3A, %mul3A_3 : i32
    "tpu.region"() ({
      %run_scoped3A = tpu.sem_alloc : memref<!tpu.dma_semaphore, #tpu.memory_space<semaphore_mem>>
      %dma_start3A = arith.constant 0 : i32
      %dma_start3A_11 = tpu.memref_slice %arg2[%mul3A_4, %dma_start3A] : memref<5120x64xi32, #tpu.memory_space<hbm>> -> memref<160x64xi32, #tpu.memory_space<hbm>>
      %dma_start3A_12 = arith.constant 0 : i32
      %dma_start3A_13 = tpu.memref_slice %arg2[%mul3A_4, %dma_start3A_12] : memref<5120x64xi32, #tpu.memory_space<hbm>> -> memref<160x64xi32, #tpu.memory_space<hbm>>
      tpu.enqueue_dma source(%dma_start3A_13 : memref<160x64xi32, #tpu.memory_space<hbm>>) target(%arg6 : memref<160x64xi32, #tpu.memory_space<vmem>>) target_semaphore(%run_scoped3A : memref<!tpu.dma_semaphore, #tpu.memory_space<semaphore_mem>>)
      %dma_wait3A = arith.constant 0 : i32
      %dma_wait3A_14 = tpu.memref_slice %arg2[%mul3A_4, %dma_wait3A] : memref<5120x64xi32, #tpu.memory_space<hbm>> -> memref<160x64xi32, #tpu.memory_space<hbm>>
      %dma_wait3A_15 = arith.constant 0 : i32
      %dma_wait3A_16 = tpu.memref_slice %arg2[%mul3A_4, %dma_wait3A_15] : memref<5120x64xi32, #tpu.memory_space<hbm>> -> memref<160x64xi32, #tpu.memory_space<hbm>>
      tpu.wait_dma2 semaphore(%run_scoped3A : memref<!tpu.dma_semaphore, #tpu.memory_space<semaphore_mem>>) src(%dma_wait3A_16 : memref<160x64xi32, #tpu.memory_space<hbm>>) dst(%arg6 : memref<160x64xi32, #tpu.memory_space<vmem>>)
      tpu.yield
    }) : () -> ()
    %barrier3A = arith.constant 0 : index
    tpu.barrier barrier_id(%barrier3A)
    %scan3A = arith.constant 0 : i32
    %scan3A_5 = arith.constant 0 : i32
    %scan3A_6 = arith.constant 160 : i32
    %scan3A_7 = arith.addi %scan3A_5, %scan3A_6 : i32
    %scan3A_8 = arith.constant 1 : i32
    scf.for %scan3A_11 = %scan3A_5 to %scan3A_7 step %scan3A_8  : i32 {
      "tpu.region"() ({
        %run_scoped3A = tpu.sem_alloc : memref<!tpu.dma_semaphore, #tpu.memory_space<semaphore_mem>>
        %dma_start3A = arith.constant 0 : i32
        %dma_start3A_12 = tpu.memref_slice %arg6[%scan3A_11, %dma_start3A] : memref<160x64xi32, #tpu.memory_space<vmem>> -> memref<1x64xi32, #tpu.memory_space<vmem>>
        %dma_start3A_13 = tpu.memref_squeeze %dma_start3A_12 : memref<1x64xi32, #tpu.memory_space<vmem>> -> memref<64xi32, #tpu.memory_space<vmem>>
        %dma_start3A_14 = arith.constant 0 : i32
        %dma_start3A_15 = arith.constant 0 : i32
        %dma_start3A_16 = tpu.memref_slice %arg8[%dma_start3A_14, %dma_start3A_15] : memref<10112x128xf32, #tpu.memory_space<vmem_shared>> -> memref<10112x128xf32, #tpu.memory_space<vmem_shared>>
        tpu.enqueue_indirect_dma source(%arg7 : memref<64x128xf32, #tpu.memory_space<vmem>>) target(%dma_start3A_16 : memref<10112x128xf32, #tpu.memory_space<vmem_shared>>) offsets(%dma_start3A_13 : memref<64xi32, #tpu.memory_space<vmem>>) semaphore(%run_scoped3A : memref<!tpu.dma_semaphore, #tpu.memory_space<semaphore_mem>>) {add = true}
        %dma_wait3A = arith.constant 0 : i32
        %dma_wait3A_17 = tpu.memref_slice %arg6[%scan3A_11, %dma_wait3A] : memref<160x64xi32, #tpu.memory_space<vmem>> -> memref<1x64xi32, #tpu.memory_space<vmem>>
        %dma_wait3A_18 = tpu.memref_squeeze %dma_wait3A_17 : memref<1x64xi32, #tpu.memory_space<vmem>> -> memref<64xi32, #tpu.memory_space<vmem>>
        %dma_wait3A_19 = arith.constant 0 : i32
        %dma_wait3A_20 = arith.constant 0 : i32
        %dma_wait3A_21 = tpu.memref_slice %arg8[%dma_wait3A_19, %dma_wait3A_20] : memref<10112x128xf32, #tpu.memory_space<vmem_shared>> -> memref<10112x128xf32, #tpu.memory_space<vmem_shared>>
        tpu.wait_indirect_dma semaphore(%run_scoped3A : memref<!tpu.dma_semaphore, #tpu.memory_space<semaphore_mem>>) src(%arg7 : memref<64x128xf32, #tpu.memory_space<vmem>>) dst(%dma_wait3A_21 : memref<10112x128xf32, #tpu.memory_space<vmem_shared>>)
        tpu.yield
      }) : () -> ()
    }
    %scan3A_9 = arith.constant 160 : i32
    %barrier3A_10 = arith.constant 0 : index
    tpu.barrier barrier_id(%barrier3A_10)
    "tpu.region"() ({
      %run_scoped3A = tpu.sem_alloc : memref<!tpu.dma_semaphore, #tpu.memory_space<semaphore_mem>>
      %dma_start3A = arith.constant 0 : i32
      %dma_start3A_11 = tpu.memref_slice %arg5[%arg0, %mul3A_2, %dma_start3A] : memref<2x10112x128xf32, #tpu.memory_space<hbm>> -> memref<1x632x128xf32, #tpu.memory_space<hbm>>
      %dma_start3A_12 = tpu.memref_squeeze %dma_start3A_11 : memref<1x632x128xf32, #tpu.memory_space<hbm>> -> memref<632x128xf32, #tpu.memory_space<hbm>>
      %dma_start3A_13 = arith.constant 0 : i32
      %dma_start3A_14 = tpu.memref_slice %arg8[%mul3A_2, %dma_start3A_13] : memref<10112x128xf32, #tpu.memory_space<vmem_shared>> -> memref<632x128xf32, #tpu.memory_space<vmem_shared>>
      tpu.enqueue_dma source(%dma_start3A_14 : memref<632x128xf32, #tpu.memory_space<vmem_shared>>) target(%dma_start3A_12 : memref<632x128xf32, #tpu.memory_space<hbm>>) target_semaphore(%run_scoped3A : memref<!tpu.dma_semaphore, #tpu.memory_space<semaphore_mem>>)
      %dma_wait3A = arith.constant 0 : i32
      %dma_wait3A_15 = tpu.memref_slice %arg5[%arg0, %mul3A_2, %dma_wait3A] : memref<2x10112x128xf32, #tpu.memory_space<hbm>> -> memref<1x632x128xf32, #tpu.memory_space<hbm>>
      %dma_wait3A_16 = tpu.memref_squeeze %dma_wait3A_15 : memref<1x632x128xf32, #tpu.memory_space<hbm>> -> memref<632x128xf32, #tpu.memory_space<hbm>>
      %dma_wait3A_17 = arith.constant 0 : i32
      %dma_wait3A_18 = tpu.memref_slice %arg8[%mul3A_2, %dma_wait3A_17] : memref<10112x128xf32, #tpu.memory_space<vmem_shared>> -> memref<632x128xf32, #tpu.memory_space<vmem_shared>>
      tpu.wait_dma2 semaphore(%run_scoped3A : memref<!tpu.dma_semaphore, #tpu.memory_space<semaphore_mem>>) src(%dma_wait3A_18 : memref<632x128xf32, #tpu.memory_space<vmem_shared>>) dst(%dma_wait3A_16 : memref<632x128xf32, #tpu.memory_space<hbm>>)
      tpu.yield
    }) : () -> ()
    return
  }
}

#map = affine_map<(d0, d1) -> (0, 0)>
#map1 = affine_map<(d0, d1) -> (0)>
#map2 = affine_map<(d0, d1) -> (0, 0, 0)>
module attributes {stable_mosaic.version = 14 : i64} {
  func.func @_sc_agg_body(%arg0: i32, %arg1: i32, %arg2: memref<10000x128xf32, #tpu.memory_space<hbm>>, %arg3: memref<5120x64xi32, #tpu.memory_space<hbm>>, %arg4: memref<327680xi32, #tpu.memory_space<hbm>>, %arg5: memref<10112x128xf32, #tpu.memory_space<hbm>>, %arg6: memref<2x10112x128xf32, #tpu.memory_space<hbm>>, %arg7: memref<160x64xi32, #tpu.memory_space<vmem>>, %arg8: memref<64x128xf32, #tpu.memory_space<vmem>>, %arg9: memref<64x128xf32, #tpu.memory_space<vmem>>, %arg10: memref<64xi32, #tpu.memory_space<vmem>>, %arg11: memref<64xi32, #tpu.memory_space<vmem>>, %arg12: memref<10112x128xf32, #tpu.memory_space<vmem_shared>>, %arg13: memref<!tpu.dma_semaphore, #tpu.memory_space<semaphore_mem>>, %arg14: memref<!tpu.dma_semaphore, #tpu.memory_space<semaphore_mem>>, %arg15: memref<!tpu.dma_semaphore, #tpu.memory_space<semaphore_mem>>, %arg16: memref<!tpu.dma_semaphore, #tpu.memory_space<semaphore_mem>>) attributes {dimension_semantics = [#tpu.dimension_semantics<core_parallel>, #tpu.dimension_semantics<subcore_parallel>], iteration_bounds = array<i64: 2, 16>, scalar_prefetch = 0 : i64, scratch_operands = 10 : i64, tpu.core_type = #tpu.core_type<sc_vector_subcore>, window_params = [{transform_indices = #map}, {transform_indices = #map}, {transform_indices = #map1}, {transform_indices = #map}, {transform_indices = #map2}]} {
    %mul3A = arith.constant 16 : i32
    %mul3A_0 = arith.muli %arg0, %mul3A : i32
    %add3A = arith.addi %mul3A_0, %arg1 : i32
    %mul3A_1 = arith.constant 632 : i32
    %mul3A_2 = arith.muli %arg1, %mul3A_1 : i32
    %mul3A_3 = arith.constant 10240 : i32
    %mul3A_4 = arith.muli %add3A, %mul3A_3 : i32
    "tpu.region"() ({
      %run_scoped3A = tpu.sem_alloc : memref<!tpu.dma_semaphore, #tpu.memory_space<semaphore_mem>>
      %dma_start3A_51 = arith.constant 0 : i32
      %dma_start3A_52 = tpu.memref_slice %arg12[%mul3A_2, %dma_start3A_51] : memref<10112x128xf32, #tpu.memory_space<vmem_shared>> -> memref<632x128xf32, #tpu.memory_space<vmem_shared>>
      %dma_start3A_53 = arith.constant 0 : i32
      %dma_start3A_54 = tpu.memref_slice %arg5[%mul3A_2, %dma_start3A_53] : memref<10112x128xf32, #tpu.memory_space<hbm>> -> memref<632x128xf32, #tpu.memory_space<hbm>>
      tpu.enqueue_dma source(%dma_start3A_54 : memref<632x128xf32, #tpu.memory_space<hbm>>) target(%dma_start3A_52 : memref<632x128xf32, #tpu.memory_space<vmem_shared>>) target_semaphore(%run_scoped3A : memref<!tpu.dma_semaphore, #tpu.memory_space<semaphore_mem>>)
      %dma_wait3A_55 = arith.constant 0 : i32
      %dma_wait3A_56 = tpu.memref_slice %arg12[%mul3A_2, %dma_wait3A_55] : memref<10112x128xf32, #tpu.memory_space<vmem_shared>> -> memref<632x128xf32, #tpu.memory_space<vmem_shared>>
      %dma_wait3A_57 = arith.constant 0 : i32
      %dma_wait3A_58 = tpu.memref_slice %arg5[%mul3A_2, %dma_wait3A_57] : memref<10112x128xf32, #tpu.memory_space<hbm>> -> memref<632x128xf32, #tpu.memory_space<hbm>>
      tpu.wait_dma2 semaphore(%run_scoped3A : memref<!tpu.dma_semaphore, #tpu.memory_space<semaphore_mem>>) src(%dma_wait3A_58 : memref<632x128xf32, #tpu.memory_space<hbm>>) dst(%dma_wait3A_56 : memref<632x128xf32, #tpu.memory_space<vmem_shared>>)
      tpu.yield
    }) : () -> ()
    %mul3A_5 = arith.constant 160 : i32
    %mul3A_6 = arith.muli %add3A, %mul3A_5 : i32
    "tpu.region"() ({
      %run_scoped3A = tpu.sem_alloc : memref<!tpu.dma_semaphore, #tpu.memory_space<semaphore_mem>>
      %dma_start3A_51 = arith.constant 0 : i32
      %dma_start3A_52 = tpu.memref_slice %arg3[%mul3A_6, %dma_start3A_51] : memref<5120x64xi32, #tpu.memory_space<hbm>> -> memref<160x64xi32, #tpu.memory_space<hbm>>
      %dma_start3A_53 = arith.constant 0 : i32
      %dma_start3A_54 = tpu.memref_slice %arg3[%mul3A_6, %dma_start3A_53] : memref<5120x64xi32, #tpu.memory_space<hbm>> -> memref<160x64xi32, #tpu.memory_space<hbm>>
      tpu.enqueue_dma source(%dma_start3A_54 : memref<160x64xi32, #tpu.memory_space<hbm>>) target(%arg7 : memref<160x64xi32, #tpu.memory_space<vmem>>) target_semaphore(%run_scoped3A : memref<!tpu.dma_semaphore, #tpu.memory_space<semaphore_mem>>)
      %dma_wait3A_55 = arith.constant 0 : i32
      %dma_wait3A_56 = tpu.memref_slice %arg3[%mul3A_6, %dma_wait3A_55] : memref<5120x64xi32, #tpu.memory_space<hbm>> -> memref<160x64xi32, #tpu.memory_space<hbm>>
      %dma_wait3A_57 = arith.constant 0 : i32
      %dma_wait3A_58 = tpu.memref_slice %arg3[%mul3A_6, %dma_wait3A_57] : memref<5120x64xi32, #tpu.memory_space<hbm>> -> memref<160x64xi32, #tpu.memory_space<hbm>>
      tpu.wait_dma2 semaphore(%run_scoped3A : memref<!tpu.dma_semaphore, #tpu.memory_space<semaphore_mem>>) src(%dma_wait3A_58 : memref<160x64xi32, #tpu.memory_space<hbm>>) dst(%arg7 : memref<160x64xi32, #tpu.memory_space<vmem>>)
      tpu.yield
    }) : () -> ()
    %barrier3A = arith.constant 0 : index
    tpu.barrier barrier_id(%barrier3A)
    %dma_start3A = arith.constant 0 : i32
    %dma_start3A_7 = arith.constant 0 : i32
    %dma_start3A_8 = tpu.memref_slice %arg7[%dma_start3A, %dma_start3A_7] : memref<160x64xi32, #tpu.memory_space<vmem>> -> memref<1x64xi32, #tpu.memory_space<vmem>>
    %dma_start3A_9 = tpu.memref_squeeze %dma_start3A_8 : memref<1x64xi32, #tpu.memory_space<vmem>> -> memref<64xi32, #tpu.memory_space<vmem>>
    %dma_start3A_10 = arith.constant 0 : i32
    %dma_start3A_11 = arith.constant 0 : i32
    %dma_start3A_12 = tpu.memref_slice %arg2[%dma_start3A_10, %dma_start3A_11] : memref<10000x128xf32, #tpu.memory_space<hbm>> -> memref<10000x128xf32, #tpu.memory_space<hbm>>
    tpu.enqueue_indirect_dma source(%dma_start3A_12 : memref<10000x128xf32, #tpu.memory_space<hbm>>) target(%arg8 : memref<64x128xf32, #tpu.memory_space<vmem>>) offsets(%dma_start3A_9 : memref<64xi32, #tpu.memory_space<vmem>>) semaphore(%arg13 : memref<!tpu.dma_semaphore, #tpu.memory_space<semaphore_mem>>)
    %add3A_13 = arith.constant 0 : i32
    %add3A_14 = arith.addi %mul3A_4, %add3A_13 : i32
    %dma_start3A_15 = tpu.memref_slice %arg4[%add3A_14] : memref<327680xi32, #tpu.memory_space<hbm>> -> memref<64xi32, #tpu.memory_space<hbm>>
    %dma_start3A_16 = tpu.memref_slice %arg4[%add3A_14] : memref<327680xi32, #tpu.memory_space<hbm>> -> memref<64xi32, #tpu.memory_space<hbm>>
    tpu.enqueue_dma source(%dma_start3A_16 : memref<64xi32, #tpu.memory_space<hbm>>) target(%arg10 : memref<64xi32, #tpu.memory_space<vmem>>) target_semaphore(%arg15 : memref<!tpu.dma_semaphore, #tpu.memory_space<semaphore_mem>>)
    %dma_start3A_17 = arith.constant 1 : i32
    %dma_start3A_18 = arith.constant 0 : i32
    %dma_start3A_19 = tpu.memref_slice %arg7[%dma_start3A_17, %dma_start3A_18] : memref<160x64xi32, #tpu.memory_space<vmem>> -> memref<1x64xi32, #tpu.memory_space<vmem>>
    %dma_start3A_20 = tpu.memref_squeeze %dma_start3A_19 : memref<1x64xi32, #tpu.memory_space<vmem>> -> memref<64xi32, #tpu.memory_space<vmem>>
    %dma_start3A_21 = arith.constant 0 : i32
    %dma_start3A_22 = arith.constant 0 : i32
    %dma_start3A_23 = tpu.memref_slice %arg2[%dma_start3A_21, %dma_start3A_22] : memref<10000x128xf32, #tpu.memory_space<hbm>> -> memref<10000x128xf32, #tpu.memory_space<hbm>>
    tpu.enqueue_indirect_dma source(%dma_start3A_23 : memref<10000x128xf32, #tpu.memory_space<hbm>>) target(%arg9 : memref<64x128xf32, #tpu.memory_space<vmem>>) offsets(%dma_start3A_20 : memref<64xi32, #tpu.memory_space<vmem>>) semaphore(%arg14 : memref<!tpu.dma_semaphore, #tpu.memory_space<semaphore_mem>>)
    %add3A_24 = arith.constant 64 : i32
    %add3A_25 = arith.addi %mul3A_4, %add3A_24 : i32
    %dma_start3A_26 = tpu.memref_slice %arg4[%add3A_25] : memref<327680xi32, #tpu.memory_space<hbm>> -> memref<64xi32, #tpu.memory_space<hbm>>
    %dma_start3A_27 = tpu.memref_slice %arg4[%add3A_25] : memref<327680xi32, #tpu.memory_space<hbm>> -> memref<64xi32, #tpu.memory_space<hbm>>
    tpu.enqueue_dma source(%dma_start3A_27 : memref<64xi32, #tpu.memory_space<hbm>>) target(%arg11 : memref<64xi32, #tpu.memory_space<vmem>>) target_semaphore(%arg16 : memref<!tpu.dma_semaphore, #tpu.memory_space<semaphore_mem>>)
    %scan3A = arith.constant 0 : i32
    %scan3A_28 = arith.constant 0 : i32
    %scan3A_29 = arith.constant 79 : i32
    %scan3A_30 = arith.addi %scan3A_28, %scan3A_29 : i32
    %scan3A_31 = arith.constant 1 : i32
    scf.for %scan3A_51 = %scan3A_28 to %scan3A_30 step %scan3A_31  : i32 {
      %mul3A_52 = arith.constant 2 : i32
      %mul3A_53 = arith.muli %mul3A_52, %scan3A_51 : i32
      %add3A_54 = arith.constant 0 : i32
      %add3A_55 = arith.addi %mul3A_53, %add3A_54 : i32
      %dma_wait3A_56 = arith.constant 0 : i32
      %dma_wait3A_57 = arith.constant 0 : i32
      %dma_wait3A_58 = tpu.memref_slice %arg7[%dma_wait3A_56, %dma_wait3A_57] : memref<160x64xi32, #tpu.memory_space<vmem>> -> memref<1x64xi32, #tpu.memory_space<vmem>>
      %dma_wait3A_59 = tpu.memref_squeeze %dma_wait3A_58 : memref<1x64xi32, #tpu.memory_space<vmem>> -> memref<64xi32, #tpu.memory_space<vmem>>
      %dma_wait3A_60 = arith.constant 0 : i32
      %dma_wait3A_61 = arith.constant 0 : i32
      %dma_wait3A_62 = tpu.memref_slice %arg2[%dma_wait3A_60, %dma_wait3A_61] : memref<10000x128xf32, #tpu.memory_space<hbm>> -> memref<10000x128xf32, #tpu.memory_space<hbm>>
      tpu.wait_indirect_dma semaphore(%arg13 : memref<!tpu.dma_semaphore, #tpu.memory_space<semaphore_mem>>) src(%dma_wait3A_62 : memref<10000x128xf32, #tpu.memory_space<hbm>>) dst(%arg8 : memref<64x128xf32, #tpu.memory_space<vmem>>)
      %dma_wait3A_63 = tpu.memref_slice %arg4[%mul3A_4] : memref<327680xi32, #tpu.memory_space<hbm>> -> memref<64xi32, #tpu.memory_space<hbm>>
      %dma_wait3A_64 = tpu.memref_slice %arg4[%mul3A_4] : memref<327680xi32, #tpu.memory_space<hbm>> -> memref<64xi32, #tpu.memory_space<hbm>>
      tpu.wait_dma2 semaphore(%arg15 : memref<!tpu.dma_semaphore, #tpu.memory_space<semaphore_mem>>) src(%dma_wait3A_64 : memref<64xi32, #tpu.memory_space<hbm>>) dst(%arg10 : memref<64xi32, #tpu.memory_space<vmem>>)
      "tpu.region"() ({
        %run_scoped3A = tpu.sem_alloc : memref<!tpu.dma_semaphore, #tpu.memory_space<semaphore_mem>>
        %dma_start3A_108 = arith.constant 0 : i32
        %dma_start3A_109 = arith.constant 0 : i32
        %dma_start3A_110 = tpu.memref_slice %arg12[%dma_start3A_108, %dma_start3A_109] : memref<10112x128xf32, #tpu.memory_space<vmem_shared>> -> memref<10112x128xf32, #tpu.memory_space<vmem_shared>>
        tpu.enqueue_indirect_dma source(%arg8 : memref<64x128xf32, #tpu.memory_space<vmem>>) target(%dma_start3A_110 : memref<10112x128xf32, #tpu.memory_space<vmem_shared>>) offsets(%arg10 : memref<64xi32, #tpu.memory_space<vmem>>) semaphore(%run_scoped3A : memref<!tpu.dma_semaphore, #tpu.memory_space<semaphore_mem>>) {add = true}
        %dma_wait3A_111 = arith.constant 0 : i32
        %dma_wait3A_112 = arith.constant 0 : i32
        %dma_wait3A_113 = tpu.memref_slice %arg12[%dma_wait3A_111, %dma_wait3A_112] : memref<10112x128xf32, #tpu.memory_space<vmem_shared>> -> memref<10112x128xf32, #tpu.memory_space<vmem_shared>>
        tpu.wait_indirect_dma semaphore(%run_scoped3A : memref<!tpu.dma_semaphore, #tpu.memory_space<semaphore_mem>>) src(%arg8 : memref<64x128xf32, #tpu.memory_space<vmem>>) dst(%dma_wait3A_113 : memref<10112x128xf32, #tpu.memory_space<vmem_shared>>)
        tpu.yield
      }) : () -> ()
      %add3A_65 = arith.constant 2 : i32
      %add3A_66 = arith.addi %add3A_55, %add3A_65 : i32
      %dma_start3A_67 = arith.constant 0 : i32
      %dma_start3A_68 = tpu.memref_slice %arg7[%add3A_66, %dma_start3A_67] : memref<160x64xi32, #tpu.memory_space<vmem>> -> memref<1x64xi32, #tpu.memory_space<vmem>>
      %dma_start3A_69 = tpu.memref_squeeze %dma_start3A_68 : memref<1x64xi32, #tpu.memory_space<vmem>> -> memref<64xi32, #tpu.memory_space<vmem>>
      %dma_start3A_70 = arith.constant 0 : i32
      %dma_start3A_71 = arith.constant 0 : i32
      %dma_start3A_72 = tpu.memref_slice %arg2[%dma_start3A_70, %dma_start3A_71] : memref<10000x128xf32, #tpu.memory_space<hbm>> -> memref<10000x128xf32, #tpu.memory_space<hbm>>
      tpu.enqueue_indirect_dma source(%dma_start3A_72 : memref<10000x128xf32, #tpu.memory_space<hbm>>) target(%arg8 : memref<64x128xf32, #tpu.memory_space<vmem>>) offsets(%dma_start3A_69 : memref<64xi32, #tpu.memory_space<vmem>>) semaphore(%arg13 : memref<!tpu.dma_semaphore, #tpu.memory_space<semaphore_mem>>)
      %add3A_73 = arith.constant 2 : i32
      %add3A_74 = arith.addi %add3A_55, %add3A_73 : i32
      %mul3A_75 = arith.constant 64 : i32
      %mul3A_76 = arith.muli %add3A_74, %mul3A_75 : i32
      %add3A_77 = arith.addi %mul3A_4, %mul3A_76 : i32
      %dma_start3A_78 = tpu.memref_slice %arg4[%add3A_77] : memref<327680xi32, #tpu.memory_space<hbm>> -> memref<64xi32, #tpu.memory_space<hbm>>
      %dma_start3A_79 = tpu.memref_slice %arg4[%add3A_77] : memref<327680xi32, #tpu.memory_space<hbm>> -> memref<64xi32, #tpu.memory_space<hbm>>
      tpu.enqueue_dma source(%dma_start3A_79 : memref<64xi32, #tpu.memory_space<hbm>>) target(%arg10 : memref<64xi32, #tpu.memory_space<vmem>>) target_semaphore(%arg15 : memref<!tpu.dma_semaphore, #tpu.memory_space<semaphore_mem>>)
      %mul3A_80 = arith.constant 2 : i32
      %mul3A_81 = arith.muli %mul3A_80, %scan3A_51 : i32
      %add3A_82 = arith.constant 1 : i32
      %add3A_83 = arith.addi %mul3A_81, %add3A_82 : i32
      %dma_wait3A_84 = arith.constant 0 : i32
      %dma_wait3A_85 = arith.constant 0 : i32
      %dma_wait3A_86 = tpu.memref_slice %arg7[%dma_wait3A_84, %dma_wait3A_85] : memref<160x64xi32, #tpu.memory_space<vmem>> -> memref<1x64xi32, #tpu.memory_space<vmem>>
      %dma_wait3A_87 = tpu.memref_squeeze %dma_wait3A_86 : memref<1x64xi32, #tpu.memory_space<vmem>> -> memref<64xi32, #tpu.memory_space<vmem>>
      %dma_wait3A_88 = arith.constant 0 : i32
      %dma_wait3A_89 = arith.constant 0 : i32
      %dma_wait3A_90 = tpu.memref_slice %arg2[%dma_wait3A_88, %dma_wait3A_89] : memref<10000x128xf32, #tpu.memory_space<hbm>> -> memref<10000x128xf32, #tpu.memory_space<hbm>>
      tpu.wait_indirect_dma semaphore(%arg14 : memref<!tpu.dma_semaphore, #tpu.memory_space<semaphore_mem>>) src(%dma_wait3A_90 : memref<10000x128xf32, #tpu.memory_space<hbm>>) dst(%arg9 : memref<64x128xf32, #tpu.memory_space<vmem>>)
      %dma_wait3A_91 = tpu.memref_slice %arg4[%mul3A_4] : memref<327680xi32, #tpu.memory_space<hbm>> -> memref<64xi32, #tpu.memory_space<hbm>>
      %dma_wait3A_92 = tpu.memref_slice %arg4[%mul3A_4] : memref<327680xi32, #tpu.memory_space<hbm>> -> memref<64xi32, #tpu.memory_space<hbm>>
      tpu.wait_dma2 semaphore(%arg16 : memref<!tpu.dma_semaphore, #tpu.memory_space<semaphore_mem>>) src(%dma_wait3A_92 : memref<64xi32, #tpu.memory_space<hbm>>) dst(%arg11 : memref<64xi32, #tpu.memory_space<vmem>>)
      "tpu.region"() ({
        %run_scoped3A = tpu.sem_alloc : memref<!tpu.dma_semaphore, #tpu.memory_space<semaphore_mem>>
        %dma_start3A_108 = arith.constant 0 : i32
        %dma_start3A_109 = arith.constant 0 : i32
        %dma_start3A_110 = tpu.memref_slice %arg12[%dma_start3A_108, %dma_start3A_109] : memref<10112x128xf32, #tpu.memory_space<vmem_shared>> -> memref<10112x128xf32, #tpu.memory_space<vmem_shared>>
        tpu.enqueue_indirect_dma source(%arg9 : memref<64x128xf32, #tpu.memory_space<vmem>>) target(%dma_start3A_110 : memref<10112x128xf32, #tpu.memory_space<vmem_shared>>) offsets(%arg11 : memref<64xi32, #tpu.memory_space<vmem>>) semaphore(%run_scoped3A : memref<!tpu.dma_semaphore, #tpu.memory_space<semaphore_mem>>) {add = true}
        %dma_wait3A_111 = arith.constant 0 : i32
        %dma_wait3A_112 = arith.constant 0 : i32
        %dma_wait3A_113 = tpu.memref_slice %arg12[%dma_wait3A_111, %dma_wait3A_112] : memref<10112x128xf32, #tpu.memory_space<vmem_shared>> -> memref<10112x128xf32, #tpu.memory_space<vmem_shared>>
        tpu.wait_indirect_dma semaphore(%run_scoped3A : memref<!tpu.dma_semaphore, #tpu.memory_space<semaphore_mem>>) src(%arg9 : memref<64x128xf32, #tpu.memory_space<vmem>>) dst(%dma_wait3A_113 : memref<10112x128xf32, #tpu.memory_space<vmem_shared>>)
        tpu.yield
      }) : () -> ()
      %add3A_93 = arith.constant 2 : i32
      %add3A_94 = arith.addi %add3A_83, %add3A_93 : i32
      %dma_start3A_95 = arith.constant 0 : i32
      %dma_start3A_96 = tpu.memref_slice %arg7[%add3A_94, %dma_start3A_95] : memref<160x64xi32, #tpu.memory_space<vmem>> -> memref<1x64xi32, #tpu.memory_space<vmem>>
      %dma_start3A_97 = tpu.memref_squeeze %dma_start3A_96 : memref<1x64xi32, #tpu.memory_space<vmem>> -> memref<64xi32, #tpu.memory_space<vmem>>
      %dma_start3A_98 = arith.constant 0 : i32
      %dma_start3A_99 = arith.constant 0 : i32
      %dma_start3A_100 = tpu.memref_slice %arg2[%dma_start3A_98, %dma_start3A_99] : memref<10000x128xf32, #tpu.memory_space<hbm>> -> memref<10000x128xf32, #tpu.memory_space<hbm>>
      tpu.enqueue_indirect_dma source(%dma_start3A_100 : memref<10000x128xf32, #tpu.memory_space<hbm>>) target(%arg9 : memref<64x128xf32, #tpu.memory_space<vmem>>) offsets(%dma_start3A_97 : memref<64xi32, #tpu.memory_space<vmem>>) semaphore(%arg14 : memref<!tpu.dma_semaphore, #tpu.memory_space<semaphore_mem>>)
      %add3A_101 = arith.constant 2 : i32
      %add3A_102 = arith.addi %add3A_83, %add3A_101 : i32
      %mul3A_103 = arith.constant 64 : i32
      %mul3A_104 = arith.muli %add3A_102, %mul3A_103 : i32
      %add3A_105 = arith.addi %mul3A_4, %mul3A_104 : i32
      %dma_start3A_106 = tpu.memref_slice %arg4[%add3A_105] : memref<327680xi32, #tpu.memory_space<hbm>> -> memref<64xi32, #tpu.memory_space<hbm>>
      %dma_start3A_107 = tpu.memref_slice %arg4[%add3A_105] : memref<327680xi32, #tpu.memory_space<hbm>> -> memref<64xi32, #tpu.memory_space<hbm>>
      tpu.enqueue_dma source(%dma_start3A_107 : memref<64xi32, #tpu.memory_space<hbm>>) target(%arg11 : memref<64xi32, #tpu.memory_space<vmem>>) target_semaphore(%arg16 : memref<!tpu.dma_semaphore, #tpu.memory_space<semaphore_mem>>)
    }
    %scan3A_32 = arith.constant 79 : i32
    %dma_wait3A = arith.constant 0 : i32
    %dma_wait3A_33 = arith.constant 0 : i32
    %dma_wait3A_34 = tpu.memref_slice %arg7[%dma_wait3A, %dma_wait3A_33] : memref<160x64xi32, #tpu.memory_space<vmem>> -> memref<1x64xi32, #tpu.memory_space<vmem>>
    %dma_wait3A_35 = tpu.memref_squeeze %dma_wait3A_34 : memref<1x64xi32, #tpu.memory_space<vmem>> -> memref<64xi32, #tpu.memory_space<vmem>>
    %dma_wait3A_36 = arith.constant 0 : i32
    %dma_wait3A_37 = arith.constant 0 : i32
    %dma_wait3A_38 = tpu.memref_slice %arg2[%dma_wait3A_36, %dma_wait3A_37] : memref<10000x128xf32, #tpu.memory_space<hbm>> -> memref<10000x128xf32, #tpu.memory_space<hbm>>
    tpu.wait_indirect_dma semaphore(%arg13 : memref<!tpu.dma_semaphore, #tpu.memory_space<semaphore_mem>>) src(%dma_wait3A_38 : memref<10000x128xf32, #tpu.memory_space<hbm>>) dst(%arg8 : memref<64x128xf32, #tpu.memory_space<vmem>>)
    %dma_wait3A_39 = tpu.memref_slice %arg4[%mul3A_4] : memref<327680xi32, #tpu.memory_space<hbm>> -> memref<64xi32, #tpu.memory_space<hbm>>
    %dma_wait3A_40 = tpu.memref_slice %arg4[%mul3A_4] : memref<327680xi32, #tpu.memory_space<hbm>> -> memref<64xi32, #tpu.memory_space<hbm>>
    tpu.wait_dma2 semaphore(%arg15 : memref<!tpu.dma_semaphore, #tpu.memory_space<semaphore_mem>>) src(%dma_wait3A_40 : memref<64xi32, #tpu.memory_space<hbm>>) dst(%arg10 : memref<64xi32, #tpu.memory_space<vmem>>)
    "tpu.region"() ({
      %run_scoped3A = tpu.sem_alloc : memref<!tpu.dma_semaphore, #tpu.memory_space<semaphore_mem>>
      %dma_start3A_51 = arith.constant 0 : i32
      %dma_start3A_52 = arith.constant 0 : i32
      %dma_start3A_53 = tpu.memref_slice %arg12[%dma_start3A_51, %dma_start3A_52] : memref<10112x128xf32, #tpu.memory_space<vmem_shared>> -> memref<10112x128xf32, #tpu.memory_space<vmem_shared>>
      tpu.enqueue_indirect_dma source(%arg8 : memref<64x128xf32, #tpu.memory_space<vmem>>) target(%dma_start3A_53 : memref<10112x128xf32, #tpu.memory_space<vmem_shared>>) offsets(%arg10 : memref<64xi32, #tpu.memory_space<vmem>>) semaphore(%run_scoped3A : memref<!tpu.dma_semaphore, #tpu.memory_space<semaphore_mem>>) {add = true}
      %dma_wait3A_54 = arith.constant 0 : i32
      %dma_wait3A_55 = arith.constant 0 : i32
      %dma_wait3A_56 = tpu.memref_slice %arg12[%dma_wait3A_54, %dma_wait3A_55] : memref<10112x128xf32, #tpu.memory_space<vmem_shared>> -> memref<10112x128xf32, #tpu.memory_space<vmem_shared>>
      tpu.wait_indirect_dma semaphore(%run_scoped3A : memref<!tpu.dma_semaphore, #tpu.memory_space<semaphore_mem>>) src(%arg8 : memref<64x128xf32, #tpu.memory_space<vmem>>) dst(%dma_wait3A_56 : memref<10112x128xf32, #tpu.memory_space<vmem_shared>>)
      tpu.yield
    }) : () -> ()
    %dma_wait3A_41 = arith.constant 0 : i32
    %dma_wait3A_42 = arith.constant 0 : i32
    %dma_wait3A_43 = tpu.memref_slice %arg7[%dma_wait3A_41, %dma_wait3A_42] : memref<160x64xi32, #tpu.memory_space<vmem>> -> memref<1x64xi32, #tpu.memory_space<vmem>>
    %dma_wait3A_44 = tpu.memref_squeeze %dma_wait3A_43 : memref<1x64xi32, #tpu.memory_space<vmem>> -> memref<64xi32, #tpu.memory_space<vmem>>
    %dma_wait3A_45 = arith.constant 0 : i32
    %dma_wait3A_46 = arith.constant 0 : i32
    %dma_wait3A_47 = tpu.memref_slice %arg2[%dma_wait3A_45, %dma_wait3A_46] : memref<10000x128xf32, #tpu.memory_space<hbm>> -> memref<10000x128xf32, #tpu.memory_space<hbm>>
    tpu.wait_indirect_dma semaphore(%arg14 : memref<!tpu.dma_semaphore, #tpu.memory_space<semaphore_mem>>) src(%dma_wait3A_47 : memref<10000x128xf32, #tpu.memory_space<hbm>>) dst(%arg9 : memref<64x128xf32, #tpu.memory_space<vmem>>)
    %dma_wait3A_48 = tpu.memref_slice %arg4[%mul3A_4] : memref<327680xi32, #tpu.memory_space<hbm>> -> memref<64xi32, #tpu.memory_space<hbm>>
    %dma_wait3A_49 = tpu.memref_slice %arg4[%mul3A_4] : memref<327680xi32, #tpu.memory_space<hbm>> -> memref<64xi32, #tpu.memory_space<hbm>>
    tpu.wait_dma2 semaphore(%arg16 : memref<!tpu.dma_semaphore, #tpu.memory_space<semaphore_mem>>) src(%dma_wait3A_49 : memref<64xi32, #tpu.memory_space<hbm>>) dst(%arg11 : memref<64xi32, #tpu.memory_space<vmem>>)
    "tpu.region"() ({
      %run_scoped3A = tpu.sem_alloc : memref<!tpu.dma_semaphore, #tpu.memory_space<semaphore_mem>>
      %dma_start3A_51 = arith.constant 0 : i32
      %dma_start3A_52 = arith.constant 0 : i32
      %dma_start3A_53 = tpu.memref_slice %arg12[%dma_start3A_51, %dma_start3A_52] : memref<10112x128xf32, #tpu.memory_space<vmem_shared>> -> memref<10112x128xf32, #tpu.memory_space<vmem_shared>>
      tpu.enqueue_indirect_dma source(%arg9 : memref<64x128xf32, #tpu.memory_space<vmem>>) target(%dma_start3A_53 : memref<10112x128xf32, #tpu.memory_space<vmem_shared>>) offsets(%arg11 : memref<64xi32, #tpu.memory_space<vmem>>) semaphore(%run_scoped3A : memref<!tpu.dma_semaphore, #tpu.memory_space<semaphore_mem>>) {add = true}
      %dma_wait3A_54 = arith.constant 0 : i32
      %dma_wait3A_55 = arith.constant 0 : i32
      %dma_wait3A_56 = tpu.memref_slice %arg12[%dma_wait3A_54, %dma_wait3A_55] : memref<10112x128xf32, #tpu.memory_space<vmem_shared>> -> memref<10112x128xf32, #tpu.memory_space<vmem_shared>>
      tpu.wait_indirect_dma semaphore(%run_scoped3A : memref<!tpu.dma_semaphore, #tpu.memory_space<semaphore_mem>>) src(%arg9 : memref<64x128xf32, #tpu.memory_space<vmem>>) dst(%dma_wait3A_56 : memref<10112x128xf32, #tpu.memory_space<vmem_shared>>)
      tpu.yield
    }) : () -> ()
    %barrier3A_50 = arith.constant 0 : index
    tpu.barrier barrier_id(%barrier3A_50)
    "tpu.region"() ({
      %run_scoped3A = tpu.sem_alloc : memref<!tpu.dma_semaphore, #tpu.memory_space<semaphore_mem>>
      %dma_start3A_51 = arith.constant 0 : i32
      %dma_start3A_52 = tpu.memref_slice %arg6[%arg0, %mul3A_2, %dma_start3A_51] : memref<2x10112x128xf32, #tpu.memory_space<hbm>> -> memref<1x632x128xf32, #tpu.memory_space<hbm>>
      %dma_start3A_53 = tpu.memref_squeeze %dma_start3A_52 : memref<1x632x128xf32, #tpu.memory_space<hbm>> -> memref<632x128xf32, #tpu.memory_space<hbm>>
      %dma_start3A_54 = arith.constant 0 : i32
      %dma_start3A_55 = tpu.memref_slice %arg12[%mul3A_2, %dma_start3A_54] : memref<10112x128xf32, #tpu.memory_space<vmem_shared>> -> memref<632x128xf32, #tpu.memory_space<vmem_shared>>
      tpu.enqueue_dma source(%dma_start3A_55 : memref<632x128xf32, #tpu.memory_space<vmem_shared>>) target(%dma_start3A_53 : memref<632x128xf32, #tpu.memory_space<hbm>>) target_semaphore(%run_scoped3A : memref<!tpu.dma_semaphore, #tpu.memory_space<semaphore_mem>>)
      %dma_wait3A_56 = arith.constant 0 : i32
      %dma_wait3A_57 = tpu.memref_slice %arg6[%arg0, %mul3A_2, %dma_wait3A_56] : memref<2x10112x128xf32, #tpu.memory_space<hbm>> -> memref<1x632x128xf32, #tpu.memory_space<hbm>>
      %dma_wait3A_58 = tpu.memref_squeeze %dma_wait3A_57 : memref<1x632x128xf32, #tpu.memory_space<hbm>> -> memref<632x128xf32, #tpu.memory_space<hbm>>
      %dma_wait3A_59 = arith.constant 0 : i32
      %dma_wait3A_60 = tpu.memref_slice %arg12[%mul3A_2, %dma_wait3A_59] : memref<10112x128xf32, #tpu.memory_space<vmem_shared>> -> memref<632x128xf32, #tpu.memory_space<vmem_shared>>
      tpu.wait_dma2 semaphore(%run_scoped3A : memref<!tpu.dma_semaphore, #tpu.memory_space<semaphore_mem>>) src(%dma_wait3A_60 : memref<632x128xf32, #tpu.memory_space<vmem_shared>>) dst(%dma_wait3A_58 : memref<632x128xf32, #tpu.memory_space<hbm>>)
      tpu.yield
    }) : () -> ()
    return
  }
}

module attributes {stable_mosaic.version = 14 : i64} {
  func.func @_tc_body(%arg0: memref<2x10112x128xf32, #tpu.memory_space<vmem>>, %arg1: memref<2x10112x128xf32, #tpu.memory_space<vmem>>, %arg2: memref<10000x128xf32, #tpu.memory_space<vmem>>, %arg3: memref<128x128xf32, #tpu.memory_space<vmem>>, %arg4: memref<128xf32, #tpu.memory_space<vmem>>, %arg5: memref<128x128xf32, #tpu.memory_space<vmem>>, %arg6: memref<10000x128xf32, #tpu.memory_space<vmem>>) attributes {dimension_semantics = [], scalar_prefetch = 0 : i64, scratch_operands = 0 : i64, tpu.core_type = #tpu.core_type<tc>} {
    %get3A = arith.constant 0 : index
    %get3A_0 = arith.constant 0 : index
    %get3A_1 = arith.constant 0 : index
    %get3A_2 = vector.load %arg0[%get3A, %get3A_0, %get3A_1] : memref<2x10112x128xf32, #tpu.memory_space<vmem>>, vector<1x10000x128xf32>
    %get3A_3 = vector.shape_cast %get3A_2 : vector<1x10000x128xf32> to vector<10000x128xf32>
    %get3A_4 = arith.constant 1 : index
    %get3A_5 = arith.constant 0 : index
    %get3A_6 = arith.constant 0 : index
    %get3A_7 = vector.load %arg0[%get3A_4, %get3A_5, %get3A_6] : memref<2x10112x128xf32, #tpu.memory_space<vmem>>, vector<1x10000x128xf32>
    %get3A_8 = vector.shape_cast %get3A_7 : vector<1x10000x128xf32> to vector<10000x128xf32>
    %add3A = arith.addf %get3A_3, %get3A_8 : vector<10000x128xf32>
    %get3A_9 = arith.constant 0 : index
    %get3A_10 = arith.constant 0 : index
    %get3A_11 = arith.constant 0 : index
    %get3A_12 = vector.load %arg1[%get3A_9, %get3A_10, %get3A_11] : memref<2x10112x128xf32, #tpu.memory_space<vmem>>, vector<1x10000x1xf32>
    %get3A_13 = vector.shape_cast %get3A_12 : vector<1x10000x1xf32> to vector<10000x1xf32>
    %get3A_14 = arith.constant 1 : index
    %get3A_15 = arith.constant 0 : index
    %get3A_16 = arith.constant 0 : index
    %get3A_17 = vector.load %arg1[%get3A_14, %get3A_15, %get3A_16] : memref<2x10112x128xf32, #tpu.memory_space<vmem>>, vector<1x10000x1xf32>
    %get3A_18 = vector.shape_cast %get3A_17 : vector<1x10000x1xf32> to vector<10000x1xf32>
    %add3A_19 = arith.addf %get3A_13, %get3A_18 : vector<10000x1xf32>
    %max3A = arith.constant 1.000000e+00 : f32
    %max3A_20 = vector.broadcast %max3A : f32 to vector<10000x1xf32>
    %max3A_21 = arith.maximumf %add3A_19, %max3A_20 : vector<10000x1xf32>
    %div3A = vector.broadcast %max3A_21 : vector<10000x1xf32> to vector<10000x128xf32>
    %div3A_22 = arith.divf %add3A, %div3A : vector<10000x128xf32>
    %get3A_23 = arith.constant 0 : index
    %get3A_24 = arith.constant 0 : index
    %get3A_25 = vector.load %arg3[%get3A_23, %get3A_24] : memref<128x128xf32, #tpu.memory_space<vmem>>, vector<128x128xf32>
    %dot_general3A = arith.constant dense<0.000000e+00> : vector<10000x128xf32>
    %dot_general3A_26 = tpu.matmul %div3A_22, %get3A_25, %dot_general3A {dimension_numbers = #tpu.dot_dimension_numbers<[1], [1], [0], [0], [0, 0, 1, 0], [], []>, transpose_lhs_hint = false} : vector<10000x128xf32>, vector<128x128xf32>, vector<10000x128xf32> -> vector<10000x128xf32>
    %get3A_27 = arith.constant 0 : index
    %get3A_28 = vector.load %arg4[%get3A_27] : memref<128xf32, #tpu.memory_space<vmem>>, vector<128xf32>
    %broadcast_in_dim3A = vector.shape_cast %get3A_28 : vector<128xf32> to vector<1x128xf32>
    %add3A_29 = vector.broadcast %broadcast_in_dim3A : vector<1x128xf32> to vector<10000x128xf32>
    %add3A_30 = arith.addf %dot_general3A_26, %add3A_29 : vector<10000x128xf32>
    %get3A_31 = arith.constant 0 : index
    %get3A_32 = arith.constant 0 : index
    %get3A_33 = vector.load %arg2[%get3A_31, %get3A_32] : memref<10000x128xf32, #tpu.memory_space<vmem>>, vector<10000x128xf32>
    %get3A_34 = arith.constant 0 : index
    %get3A_35 = arith.constant 0 : index
    %get3A_36 = vector.load %arg5[%get3A_34, %get3A_35] : memref<128x128xf32, #tpu.memory_space<vmem>>, vector<128x128xf32>
    %dot_general3A_37 = arith.constant dense<0.000000e+00> : vector<10000x128xf32>
    %dot_general3A_38 = tpu.matmul %get3A_33, %get3A_36, %dot_general3A_37 {dimension_numbers = #tpu.dot_dimension_numbers<[1], [1], [0], [0], [0, 0, 1, 0], [], []>, transpose_lhs_hint = false} : vector<10000x128xf32>, vector<128x128xf32>, vector<10000x128xf32> -> vector<10000x128xf32>
    %add3A_39 = arith.addf %add3A_30, %dot_general3A_38 : vector<10000x128xf32>
    %max3A_40 = arith.constant 0.000000e+00 : f32
    %max3A_41 = vector.broadcast %max3A_40 : f32 to vector<10000x128xf32>
    %max3A_42 = arith.maximumf %add3A_39, %max3A_41 : vector<10000x128xf32>
    %swap3A = arith.constant 0 : index
    %swap3A_43 = arith.constant 0 : index
    %swap3A_44 = vector.load %arg6[%swap3A, %swap3A_43] : memref<10000x128xf32, #tpu.memory_space<vmem>>, vector<10000x128xf32>
    tpu.vector_store %arg6[%swap3A, %swap3A_43], %max3A_42 {strides = array<i32>} : memref<10000x128xf32, #tpu.memory_space<vmem>>, vector<10000x128xf32>,
    return
  }
}

module attributes {stable_mosaic.version = 14 : i64} {
  func.func @_tc_body(%arg0: memref<2x10112x128xf32, #tpu.memory_space<vmem>>, %arg1: memref<2x10112x128xf32, #tpu.memory_space<vmem>>, %arg2: memref<10000x128xf32, #tpu.memory_space<vmem>>, %arg3: memref<128x128xf32, #tpu.memory_space<vmem>>, %arg4: memref<128xf32, #tpu.memory_space<vmem>>, %arg5: memref<128x128xf32, #tpu.memory_space<vmem>>, %arg6: memref<10000x128xf32, #tpu.memory_space<vmem>>) attributes {dimension_semantics = [], scalar_prefetch = 0 : i64, scratch_operands = 0 : i64, tpu.core_type = #tpu.core_type<tc>} {
    %get3A = arith.constant 0 : index
    %get3A_0 = arith.constant 0 : index
    %get3A_1 = arith.constant 0 : index
    %get3A_2 = vector.load %arg0[%get3A, %get3A_0, %get3A_1] : memref<2x10112x128xf32, #tpu.memory_space<vmem>>, vector<1x10000x128xf32>
    %get3A_3 = vector.shape_cast %get3A_2 : vector<1x10000x128xf32> to vector<10000x128xf32>
    %get3A_4 = arith.constant 1 : index
    %get3A_5 = arith.constant 0 : index
    %get3A_6 = arith.constant 0 : index
    %get3A_7 = vector.load %arg0[%get3A_4, %get3A_5, %get3A_6] : memref<2x10112x128xf32, #tpu.memory_space<vmem>>, vector<1x10000x128xf32>
    %get3A_8 = vector.shape_cast %get3A_7 : vector<1x10000x128xf32> to vector<10000x128xf32>
    %add3A = arith.addf %get3A_3, %get3A_8 : vector<10000x128xf32>
    %get3A_9 = arith.constant 0 : index
    %get3A_10 = arith.constant 0 : index
    %get3A_11 = arith.constant 0 : index
    %get3A_12 = vector.load %arg1[%get3A_9, %get3A_10, %get3A_11] : memref<2x10112x128xf32, #tpu.memory_space<vmem>>, vector<1x10000x1xf32>
    %get3A_13 = vector.shape_cast %get3A_12 : vector<1x10000x1xf32> to vector<10000x1xf32>
    %get3A_14 = arith.constant 1 : index
    %get3A_15 = arith.constant 0 : index
    %get3A_16 = arith.constant 0 : index
    %get3A_17 = vector.load %arg1[%get3A_14, %get3A_15, %get3A_16] : memref<2x10112x128xf32, #tpu.memory_space<vmem>>, vector<1x10000x1xf32>
    %get3A_18 = vector.shape_cast %get3A_17 : vector<1x10000x1xf32> to vector<10000x1xf32>
    %add3A_19 = arith.addf %get3A_13, %get3A_18 : vector<10000x1xf32>
    %max3A = arith.constant 1.000000e+00 : f32
    %max3A_20 = vector.broadcast %max3A : f32 to vector<10000x1xf32>
    %max3A_21 = arith.maximumf %add3A_19, %max3A_20 : vector<10000x1xf32>
    %div3A = vector.broadcast %max3A_21 : vector<10000x1xf32> to vector<10000x128xf32>
    %div3A_22 = arith.divf %add3A, %div3A : vector<10000x128xf32>
    %get3A_23 = arith.constant 0 : index
    %get3A_24 = arith.constant 0 : index
    %get3A_25 = vector.load %arg3[%get3A_23, %get3A_24] : memref<128x128xf32, #tpu.memory_space<vmem>>, vector<128x128xf32>
    %dot_general3A = arith.constant dense<0.000000e+00> : vector<10000x128xf32>
    %dot_general3A_26 = tpu.matmul %div3A_22, %get3A_25, %dot_general3A {dimension_numbers = #tpu.dot_dimension_numbers<[1], [1], [0], [0], [0, 0, 1, 0], [], []>, transpose_lhs_hint = false} : vector<10000x128xf32>, vector<128x128xf32>, vector<10000x128xf32> -> vector<10000x128xf32>
    %get3A_27 = arith.constant 0 : index
    %get3A_28 = vector.load %arg4[%get3A_27] : memref<128xf32, #tpu.memory_space<vmem>>, vector<128xf32>
    %broadcast_in_dim3A = vector.shape_cast %get3A_28 : vector<128xf32> to vector<1x128xf32>
    %add3A_29 = vector.broadcast %broadcast_in_dim3A : vector<1x128xf32> to vector<10000x128xf32>
    %add3A_30 = arith.addf %dot_general3A_26, %add3A_29 : vector<10000x128xf32>
    %get3A_31 = arith.constant 0 : index
    %get3A_32 = arith.constant 0 : index
    %get3A_33 = vector.load %arg2[%get3A_31, %get3A_32] : memref<10000x128xf32, #tpu.memory_space<vmem>>, vector<10000x128xf32>
    %get3A_34 = arith.constant 0 : index
    %get3A_35 = arith.constant 0 : index
    %get3A_36 = vector.load %arg5[%get3A_34, %get3A_35] : memref<128x128xf32, #tpu.memory_space<vmem>>, vector<128x128xf32>
    %dot_general3A_37 = arith.constant dense<0.000000e+00> : vector<10000x128xf32>
    %dot_general3A_38 = tpu.matmul %get3A_33, %get3A_36, %dot_general3A_37 {dimension_numbers = #tpu.dot_dimension_numbers<[1], [1], [0], [0], [0, 0, 1, 0], [], []>, transpose_lhs_hint = false} : vector<10000x128xf32>, vector<128x128xf32>, vector<10000x128xf32> -> vector<10000x128xf32>
    %add3A_39 = arith.addf %add3A_30, %dot_general3A_38 : vector<10000x128xf32>
    %swap3A = arith.constant 0 : index
    %swap3A_40 = arith.constant 0 : index
    %swap3A_41 = vector.load %arg6[%swap3A, %swap3A_40] : memref<10000x128xf32, #tpu.memory_space<vmem>>, vector<10000x128xf32>
    tpu.vector_store %arg6[%swap3A, %swap3A_40], %add3A_39 {strides = array<i32>} : memref<10000x128xf32, #tpu.memory_space<vmem>>, vector<10000x128xf32>,
    return
  }
}

</mosaic_0001>

<sc_bundles>
// kernel: kernel.10.cloned.1.call-start
scs
__scs_entry_jumppad:
0x0: {  	(pc) =	sbr.rel $0x88, $3  }
0x1: {  	(tag) =	ssettag $0x0;
	lr =	simm.s32 $0x1  }
0x2: {  	[smem:$0x3F99] =	sst lr;
	_ =	strace $0xD0000000  }
0x3: {  	_ = 	snop  }
0x4: {  	_ = 	snop  }
0x5: {  	_ = 	snop  }
0x6: {  	_ = 	snop  }
0x7: {  	_ = 	snop  }
__scs_overlays_trampoline_lowered:
0x8: {  	[smem:$0x3FA8] =	sst s0  }
0x9: {  	[smem:$0x3FA9] =	sst s1  }
0xa: {  	[smem:$0x3FAA] =	sst s2  }
0xb: {  	[smem:$0x3FAB] =	sst s3  }
0xc: {  	[smem:$0x3FAC] =	sst s4  }
0xd: {  	[smem:$0x3FAD] =	sst s5  }
0xe: {  	[smem:$0x3FAE] =	sst s6  }
0xf: {  	[smem:$0x3FAF] =	sst s7  }
0x10: {  	[smem:$0x3FB0] =	sst s8  }
0x11: {  	[smem:$0x3FB1] =	sst s9;
	s0 =	simm.s32 @!p0 $0x0  }
0x12: {  	s1 =	sld [smem:$0x3F97];
	s0 =	simm.s32 @p0 $0x1  }
0x13: {  	[smem:$0x3FB2] =	sst s0;
	s0 =	simm.s32 @!p1 $0x0  }
0x14: {  	s2 =	sld [smem:$0x3F96];
	s0 =	simm.s32 @p1 $0x1  }
0x15: {  	[smem:$0x3FB3] =	sst s0;
	s0 =	simm.s32 @!p2 $0x0  }
0x16: {  	s3 =	sld [smem:$0x3FDB];
	s0 =	simm.s32 @p2 $0x1  }
0x17: {  	s4 =	simm.s32 $0x1BF5;
	[smem:$0x3FB5] =	sst s0  }
0x18: {  	s0 =	sld [smem:$0x3F98];
	_ =	swait.ge [sflag:s4], $0x0  }
0x19: {  	s7 =	sld [smem:$0x3F99]  }
0x1a: {  	s8 =	sadd.s32 $0xFFFFE003, lr  }
0x1b: {  	s9 =	sadd.s32 $0xFFFFFEF7, lr;
	s5 =	simm.s32 $0xFFFFFFFF;
	p2 =	slt.u32 s8, $0xFFFFF086  }
0x1c: {  	p1 =	slt.u32 s9, $0xF7A;
	s5 =	simm.s32 @!p2 $0x0  }
0x1d: {  	s5 =	simm.s32 @p1 $0x1;
	p0 =	seq.s32 s7, s2  }
0x1e: {  	s7 =	smul.u32 @!p0 $0xF7A, s2;
	p2 =	seq.s32 @!p0 s5, $0x0  }
0x1f: {  	s9 =	smul.u32 $0xF7A, s1;
	s8 =	simm.s32 @!p0 $0x1BF5;
	p2 =	por !p2, p0  }
0x20: {  	[sflag:s8] =	ssyncset.s32 @!p0 $0xFFFFF086;
	s6 =	sadd.s32 @!p0 s3, s7;
	s7 =	simm.s32 @!p0 $0x108  }
0x21: {  	s3 =	sadd.s32 s3, s9;
	s6 =	sadd.s32 @!p0 $0x88, s6;
	s7 =	simm.s32 @p2 $0x1082  }
0x22: {  	[simem:s7], [sflag:s8] =	dma.local @!p0 [hbm:s6], $0xF7A  }
0x23: {  	s9 =	sor.u32 $0xD0000000, s2;
	s6 =	simm.s32 $0x108;
	_ =	swait.ge @!p0 [sflag:s8], $0x0  }
0x24: {  	s3 =	sadd.s32 $0x88, s3;
	s6 =	simm.s32 @!p1 $0x1082;
	[sflag:s4] =	ssyncset.s32 $0xFFFFF086  }
0x25: {  	[simem:s6], [sflag:s4] =	dma.local [hbm:s3], $0xF7A  }
0x26: {  	[smem:$0x3F99] =	sst s1;
	(tag) =	ssettag s2;
	_ =	strace s9  }
0x27: {  	s1 =	sld [smem:$0x3FA9]  }
0x28: {  	s2 =	sld [smem:$0x3FAA]  }
0x29: {  	s4 =	sld [smem:$0x3FAC]  }
0x2a: {  	p0 =	seq.s32 s5, $0x0;
	s5 =	sld [smem:$0x3FAD]  }
0x2b: {  	s6 =	sld [smem:$0x3FAE]  }
0x2c: {  	s7 =	sld [smem:$0x3FAF]  }
0x2d: {  	s3 =	simm.s32 $0x108;
	s8 =	sld [smem:$0x3FB0]  }
0x2e: {  	s3 =	simm.s32 @!p0 $0x1082;
	s9 =	sld [smem:$0x3FB1]  }
0x2f: {  	lr =	sadd.s32 s0, s3;
	s0 =	sld [smem:$0x3FA8]  }
0x30: {  	s3 =	sld [smem:$0x3FAB]  }
0x31: {  	[smem:$0x3FB4] =	sst s10  }
0x32: {  	s10 =	sld [smem:$0x3FB2];
	_ =	sdelay $0x3  }
0x33: {  	p0 =	seq.s32 s10, $0x1;
	s10 =	sld [smem:$0x3FB4];
	_ =	sdelay $0x3  }
0x34: {  	[smem:$0x3FB4] =	sst s10  }
0x35: {  	s10 =	sld [smem:$0x3FB3];
	_ =	sdelay $0x3  }
0x36: {  	p1 =	seq.s32 s10, $0x1;
	s10 =	sld [smem:$0x3FB4];
	_ =	sdelay $0x3  }
0x37: {  	[smem:$0x3FB4] =	sst s10  }
0x38: {  	s10 =	sld [smem:$0x3FB5]  }
0x39: {  	_ = 	snop;
	(pc) =	sbr.ind lr, $3  }
0x3a: {  	_ = 	snop  }
0x3b: {  	_ = 	snop  }
0x3c: {  	p2 =	seq.s32 s10, $0x1;
	s10 =	sld [smem:$0x3FB4]  }
0x3d: {  	_ =	shalt  }
0x3e: {  	_ =	shalt  }
0x3f: {  	_ =	shalt  }
0x40: {  	_ =	shalt  }
0x41: {  	_ =	shalt  }
0x42: {  	_ =	shalt  }
0x43: {  	_ =	shalt  }
0x44: {  	_ =	shalt  }
0x45: {  	_ =	shalt  }
0x46: {  	_ =	shalt  }
0x47: {  	_ =	shalt  }
0x48: {  	_ =	shalt  }
0x49: {  	_ =	shalt  }
0x4a: {  	_ =	shalt  }
0x4b: {  	_ =	shalt  }
0x4c: {  	_ =	shalt  }
0x4d: {  	_ =	shalt  }
0x4e: {  	_ =	shalt  }
0x4f: {  	_ =	shalt  }
0x50: {  	_ =	shalt  }
0x51: {  	_ =	shalt  }
0x52: {  	_ =	shalt  }
0x53: {  	_ =	shalt  }
0x54: {  	_ =	shalt  }
0x55: {  	_ =	shalt  }
0x56: {  	_ =	shalt  }
0x57: {  	_ =	shalt  }
0x58: {  	_ =	shalt  }
0x59: {  	_ =	shalt  }
0x5a: {  	_ =	shalt  }
0x5b: {  	_ =	shalt  }
0x5c: {  	_ =	shalt  }
0x5d: {  	_ =	shalt  }
0x5e: {  	_ =	shalt  }
0x5f: {  	_ =	shalt  }
0x60: {  	_ =	shalt  }
0x61: {  	_ =	shalt  }
0x62: {  	_ =	shalt  }
0x63: {  	_ =	shalt  }
0x64: {  	_ =	shalt  }
0x65: {  	_ =	shalt  }
0x66: {  	_ =	shalt  }
0x67: {  	_ =	shalt  }
0x68: {  	_ =	shalt  }
0x69: {  	_ =	shalt  }
0x6a: {  	_ =	shalt  }
0x6b: {  	_ =	shalt  }
0x6c: {  	_ =	shalt  }
0x6d: {  	_ =	shalt  }
0x6e: {  	_ =	shalt  }
0x6f: {  	_ =	shalt  }
0x70: {  	_ =	shalt  }
0x71: {  	_ =	shalt  }
0x72: {  	_ =	shalt  }
0x73: {  	_ =	shalt  }
0x74: {  	_ =	shalt  }
0x75: {  	_ =	shalt  }
0x76: {  	_ =	shalt  }
0x77: {  	_ =	shalt  }
0x78: {  	_ =	shalt  }
0x79: {  	_ =	shalt  }
0x7a: {  	_ =	shalt  }
0x7b: {  	_ =	shalt  }
0x7c: {  	_ =	shalt  }
0x7d: {  	_ =	shalt  }
0x7e: {  	_ =	shalt  }
0x7f: {  	_ =	shalt  }
0x80: {  	_ =	shalt  }
0x81: {  	_ =	shalt  }
0x82: {  	_ =	shalt  }
0x83: {  	_ =	shalt  }
0x84: {  	_ =	shalt  }
0x85: {  	_ =	shalt  }
0x86: {  	_ =	shalt  }
0x87: {  	_ =	shalt  }
.Lfunc_end0:
.L_simem_size_0:
called_computation.1_lowered:
.L_overlay_start_0:
0x88: {  	s2 =	sld [smem:$0x3FD9]  }
0x89: {  	s3 =	sld [smem:$0x3FFE];
	_ =	sdelay $0x1  }
0x8a: {  	s1 =	srdreg.scid  }
0x8b: {  	s0 =	sand.u32 $0x1, s1  }
0x8c: {  	s17 =	sshll.u32 s0, $0xA;
	s2 =	sadd.s32 s3, s2  }
0x8d: {  	s2 =	sadd.s32 s2, s17  }
0x8e: {  	[smem:$0x3FC0] =	sst s2  }
0x8f: {  	_ = 	snop  }
0x90: {  	s18 =	sld [smem:$0x3FC9];
	(tm) =	ssettm $0x1  }
0x91: {  	s19 =	sld [smem:$0x3FFB];
	_ =	sdelay $0x3  }
0x92: {  	_ =	strace s19  }
0x93: {  	s2 =	sld [smem:$0x3FFC];
	_ =	sdelay $0x3  }
0x94: {  	_ =	strace s2  }
0x95: {  	s2 =	sld [smem:$0x3FFD];
	_ =	sdelay $0x3  }
0x96: {  	_ =	strace s2  }
0x97: {  	_ =	strace $0x8FFFFFFF  }
0x98: {  	s20 =	sld [smem:$0x3FDB];
	_ =	sdelay $0x1  }
0x99: {  	s4 =	simm.s32 $_scs_section_size  }
0x9a: {  	s5 =	simm.s32 $_size__tile_overlayer_lowered;
	s6 =	simm.s32 $_tile_overlayer_lowered  }
0x9b: {  	s7 =	simm.s32 $0x1BFF;
	s21 =	sshll.u32 s6, $0x1;
	s4 =	sadd.s32 s4, s20  }
0x9c: {  	s22 =	simm.s32 $0x0;
	s5 =	sshll.u32 s5, $0x1;
	s6 =	sadd.s32 s21, s4  }
0x9d: {  	[timem:s22], [sflag:s7] =	dma.local [hbm:s6], s5  }
0x9e: {  	_ =	swait.ge [sflag:s7], s5  }
0x9f: {  	s5 =	ssub.s32 $0x0, s5;
	[sflag:s7] =	ssyncset.done $0x0  }
0xa0: {  	[sflag:s7] =	ssyncadd.s32 s5;
	_ =	sdelay $0x1  }
0xa1: {  	s23 =	simm.s32 $0x1B8B  }
0xa2: {  	_ =	swait.ge [sflag:s23], $0x1  }
0xa3: {  	[sflag:s23] =	ssyncset.done $0x0  }
0xa4: {  	[sflag:s23] =	ssyncadd.s32 $0xFFFFFFFF  }
0xa5: {  	s5 =	sld [smem:$0x0]  }
0xa6: {  	s6 =	sand.u32 $0xFFFFFFFE, s1  }
0xa7: {  	p0 =	sne.s32 s1, s6  }
0xa8: {  	s6 =	sshll.u32 @p0 s6, $0xE  }
0xa9: {  	s6 =	sadd.s32 @p0 $0x11B8D, s6;
	s7 =	sshll.u32 @p0 s5, $0x11  }
0xaa: {  	s6 =	sor.u32 @p0 s7, s6  }
0xab: {  	[sflag:s6] =	ssyncadd.remote.s32 @p0 $0x1;
	_ =	sdelay $0x1  }
0xac: {  	s6 =	simm.s32 @p0 $0x1B8D  }
0xad: {  	_ =	swait.eq @p0 [sflag:s6], $0x1  }
0xae: {  	[sflag:s6] =	ssyncadd.s32 @p0 $0xFFFFFFFF  }
0xaf: {  	s7 =	sshll.u32 @!p0 s1, $0xE  }
0xb0: {  	s7 =	sor.u32 @!p0 $0x4000, s7;
	s6 =	simm.s32 @!p0 $0x1B8D  }
0xb1: {  	s5 =	sshll.u32 @!p0 s5, $0x11;
	s7 =	sadd.s32 @!p0 $0x11B8D, s7;
	_ =	swait.eq @!p0 [sflag:s6], $0x1  }
0xb2: {  	s5 =	sor.u32 @!p0 s5, s7;
	[sflag:s6] =	ssyncadd.s32 @!p0 $0xFFFFFFFF  }
0xb3: {  	s25 =	simm.s32 $0x1B8E;
	s24 =	sld [smem:$0x3FFE];
	[sflag:s5] =	ssyncadd.remote.s32 @!p0 $0x1  }
0xb4: {  	s26 =	simm.s32 $execute0_lowered;
	[smem:$0x3FD2] =	sst s25  }
0xb5: {  	s6 =	sshll.u32 s26, $0x1;
	_ =	strace $0x80000049;
	[dreg:$0x1] =	wrdreg $0xFFFFFFFF  }
0xb6: {  	s28 =	simm.s32 $_size_execute0_lowered;
	s4 =	sadd.s32 s4, s6;
	[dreg:$0x0] =	wrdreg $0x0  }
0xb7: {  	s6 =	sshll.u32 s28, $0x1;
	[dreg:$0x2] =	wrdreg s4  }
0xb8: {  	[dreg:$0x3] =	wrdreg s6  }
0xb9: {  	[dreg:$0x4] =	wrdreg $0xC0  }
0xba: {  	_ =	task [dreg:s22], $0x5FFFF  }
0xbb: {  	[dreg:$0x1] =	wrdreg $0xFFFFFFFF  }
0xbc: {  	[dreg:$0x0] =	wrdreg $0x60  }
0xbd: {  	[dreg:$0x2] =	wrdreg s18  }
0xbe: {  	[dreg:$0x3] =	wrdreg s24  }
0xbf: {  	[dreg:$0x4] =	wrdreg $0x91000  }
0xc0: {  	[dreg:$0x5] =	wrdreg $0xA  }
0xc1: {  	_ =	task.clear_ibuf [dreg:s22], $0x6FFFF;
	_ =	strace $0x90000049  }
0xc2: {  	s29 =	simm.s32 $0xA;
	_ =	strace $0x8000004B  }
0xc3: {  	_ =	swait.ge [sflag:s29], $0x1  }
0xc4: {  	[sflag:s29] =	ssyncadd.s32 $0xFFFFFFFF  }
0xc5: {  	_ =	strace $0x9000004B  }
0xc6: {  	_ =	sfence  }
0xc7: {  	s30 =	sld [smem:$0x0];
	_ =	sdelay $0x2  }
0xc8: {  	s31 =	sshll.u32 s1, $0xD;
	s1 =	sshrl.u32 s1, $0x2  }
0xc9: {  	s4 =	sand.u32 $0x4000, s31;
	s1 =	sadd.s32 s1, s30  }
0xca: {  	s0 =	sor.u32 s4, s0;
	s1 =	sshll.u32 s1, $0x11  }
0xcb: {  	s0 =	sor.u32 s1, s0  }
0xcc: {  	s0 =	sadd.s32 $0x8F2B, s0  }
0xcd: {  	[sflag:s0] =	ssyncadd.remote.s32 $0x1  }
0xce: {  	_ =	sfence.sel $0xFFFF  }
0xcf: {  	[dreg:$0x0] =	wrdreg $0xFFFFFFFF;
	(pc) =	sbr.abs _section_cstart, $3  }
0xd0: {  	[dreg:$0x1] =	wrdreg $0xFFFFFFFF  }
0xd1: {  	_ =	task.clear_ibuf [dreg:s22], $0x2FFFF;
	_ =	strace $0x9FFFFFFF  }
0xd2: {  	(tm) =	ssettm $0x7FFFFFFF  }
0xd3: {  	_ =	shalt  }
tec
execute0_lowered:
.L_overlay_start_1:
0x0: {  	(tag) =	ssettag $0x1  }
0x1: {  	s1 =	rddreg [dreg:$0x0]  }
0x2: {  	s0 =	srdreg.scid;
	s6 =	rddreg [dreg:$0x1]  }
0x3: {  	s3 =	rddreg [dreg:$0x2];
	s4 =	simm.s32 $0x0;
	s17 =	simm.s32 $0x5000  }
0x4: {  	s18 =	simm.s32 $0x9000;
	s19 =	simm.s32 $0x80;
	s20 =	simm.s32 $0x7000  }
0x5: {  	s21 =	simm.s32 $0x9080;
	s5 =	sand.u32 $0x1, s0;
	s0 =	stileid.u32  }
0x6: {  	s22 =	simm.s32 $0x1;
	s23 =	simm.s32 $0x3;
	s9 =	smul.u32 $0x13C00, s0  }
0x7: {  	s24 =	simm.s32 $0x2;
	s25 =	simm.s32 $0x4;
	s10 =	smul.u32 $0x13C000, s5  }
0x8: {  	[smem:$0x7FF] =	sst s4;
	s13 =	sadd.s32 $0x2200, s6;
	s11 =	smul.u32 $0x4F000, s0  }
0x9: {  	s2 =	sshll.u32 s5, $0x4;
	s26 =	ssub.s32 $0x2, s5;
	s28 =	smul.u32 $0x28000, s5  }
0xa: {  	s29 =	sshll.u32 s0, $0x6;
	s15 =	smul.u32 $0x2800, s0;
	s7 =	sor.u32 s0, s2  }
0xb: {  	s2 =	rddreg [dreg:$0x3];
	_ =	strace $0x8000004A;
	s12 =	sshrl.u32 s26, $0x1  }
0xc: {  	s8 =	smul.u32 $0xA00, s7;
	s10 =	sadd.s32 s9, s10;
	s9 =	sshrl.u32 s9, $0x3  }
0xd: {  	s7 =	smul.u32 $0x2800, s7;
	s11 =	sshrl.u32 s11, $0x2;
	s12 =	ssub.s32 s26, s12  }
0xe: {  	s26 =	simm.s32 $0x0;
	s10 =	sshrl.u32 s10, $0x3;
	s9 =	sadd.s32 s9, s6  }
0xf: {  	s14 =	sadd.s32 s11, s3;
	s11 =	sadd.s32 s15, s28;
	s8 =	sadd.s32 s8, s6  }
0x10: {  	s10 =	sadd.s32 s10, s6;
	s7 =	sshrl.u32 s7, $0x3;
	s5 =	sadd.s32 $0xC600, s9  }
0x11: {  	s6 =	sor.u32 $0x1C05, s29;
	s15 =	sor.u32 $0x80, s11;
	s16 =	sor.u32 $0xC0, s11  }
0x12: {  	s11 =	smax.u32 s12, $0x1;
	s14 =	sshrl.u32 s14, $0x3;
	s7 =	sadd.s32 s13, s7  }
0x13: {  	s8 =	sadd.s32 $0x82E00, s8;
	s10 =	sadd.s32 $0x96E00, s10;
	s30 =	sshrl.u32 s15, $0x3  }
0x14: {  	s31 =	sshrl.u32 s16, $0x3;
	s15 =	simm.s32 $0x5;
	s16 =	simm.s32 $0x40  }
0x15: {  	s9 =	sadd.s32 $0x8, s7;
	s12 =	sadd.s32 s30, s13;
	s13 =	sadd.s32 s31, s13  }
.LBB2_1:
0x16: {  	[spmem:s14], [sflag:s6] =	dma.local [hbm:s5], $0x2780  }
0x17: {  	_ =	swait.ge [sflag:s15], $0x2780  }
0x18: {  	[sflag:s15] =	ssyncset.done $0x0  }
0x19: {  	[sflag:s15] =	ssyncadd.s32 $0xFFFFD880  }
0x1a: {  	[tilespmem:s4], [sflag:$0x5] =	stream.linear.gather [hbm4b:s8+s4], $0x5000, $0x38;
	[tilespmem:$0x1CD00] =	vst v63  }
0x1b: {  	_ =	swait.ge [sflag:s15], $0x5000  }
0x1c: {  	[sflag:s15] =	ssyncset.done $0x0  }
0x1d: {  	[sflag:s15] =	ssyncadd.s32 $0xFFFFB000  }
0x1e: {  	[bflag:$0x0] =	sbarrier.arrive $0xFFFF  }
0x1f: {  	[tilespmem:s17], [sflag:$0x1] =	stream.indirect.gather [hbm4b:s1+s16], $0x80, s4, s16, $0xb8;
	[tilespmem:$0x1CD00] =	vst v63  }
0x20: {  	_ = 	snop  }
0x21: {  	[tilespmem:s18], [sflag:$0x3] =	stream.linear.gather [hbm4b:s7+s4], $0x40, $0x38;
	[tilespmem:$0x1CD00] =	vst v63  }
0x22: {  	_ = 	snop  }
0x23: {  	[tilespmem:s20], [sflag:$0x2] =	stream.indirect.gather [hbm4b:s1+s16], $0x80, s19, s16, $0xb8;
	[tilespmem:$0x1CD00] =	vst v63  }
0x24: {  	_ = 	snop  }
0x25: {  	[tilespmem:s21], [sflag:$0x4] =	stream.linear.gather [hbm4b:s9+s4], $0x40, $0x38;
	[tilespmem:$0x1CD00] =	vst v63  }
0x26: {  	_ =	swait.ge [sflag:s22], $0x2000  }
0x27: {  	[sflag:s22] =	ssyncset.done $0x0  }
0x28: {  	[sflag:s22] =	ssyncadd.s32 $0xFFFFE000  }
0x29: {  	_ =	swait.ge [sflag:s23], $0x40  }
0x2a: {  	[sflag:s23] =	ssyncset.done $0x0  }
0x2b: {  	[sflag:s23] =	ssyncadd.s32 $0xFFFFFFC0  }
0x2c: {  	[spmem:s3] =	stream.indirect.scatter.add.f32 [tilespmem:s17], [sflag:$0x5], $0x80, s18, s16, $0xb8;
	[tilespmem:$0x1CD00] =	vst v63  }
0x2d: {  	_ =	swait.ge [sflag:s15], $0x2000  }
0x2e: {  	[sflag:s15] =	ssyncset.done $0x0  }
0x2f: {  	s28 =	simm.s32 $0x100;
	[sflag:s15] =	ssyncadd.s32 $0xFFFFE000  }
0x30: {  	[tilespmem:s17], [sflag:$0x1] =	stream.indirect.gather [hbm4b:s1+s16], $0x80, s28, s16, $0xb8;
	[tilespmem:$0x1CD00] =	vst v63  }
0x31: {  	s28 =	sadd.s32 $0x0, s12  }
0x32: {  	[tilespmem:s18], [sflag:$0x3] =	stream.linear.gather [hbm4b:s28+s4], $0x40, $0x38;
	[tilespmem:$0x1CD00] =	vst v63  }
0x33: {  	_ =	swait.ge [sflag:s24], $0x2000  }
0x34: {  	[sflag:s24] =	ssyncset.done $0x0  }
0x35: {  	[sflag:s24] =	ssyncadd.s32 $0xFFFFE000  }
0x36: {  	_ =	swait.ge [sflag:s25], $0x40  }
0x37: {  	[sflag:s25] =	ssyncset.done $0x0  }
0x38: {  	[sflag:s25] =	ssyncadd.s32 $0xFFFFFFC0  }
0x39: {  	[spmem:s3] =	stream.indirect.scatter.add.f32 [tilespmem:s20], [sflag:$0x5], $0x80, s21, s16, $0xb8;
	[tilespmem:$0x1CD00] =	vst v63  }
0x3a: {  	_ =	swait.ge [sflag:s15], $0x2000  }
0x3b: {  	[sflag:s15] =	ssyncset.done $0x0  }
0x3c: {  	s28 =	simm.s32 $0x180;
	[sflag:s15] =	ssyncadd.s32 $0xFFFFE000  }
0x3d: {  	[tilespmem:s20], [sflag:$0x2] =	stream.indirect.gather [hbm4b:s1+s16], $0x80, s28, s16, $0xb8;
	[tilespmem:$0x1CD00] =	vst v63  }
0x3e: {  	s30 =	sadd.s32 $0x0, s13;
	s29 =	simm.s32 $0x200;
	s28 =	simm.s32 $0x10  }
.LBB2_2:
0x3f: {  	[tilespmem:s21], [sflag:$0x4] =	stream.linear.gather [hbm4b:s30+s4], $0x40, $0x38;
	[tilespmem:$0x1CD00] =	vst v63  }
0x40: {  	s30 =	smov.u32 s28  }
0x41: {  	p0 =	sne.s32 s28, $0x4E0;
	s28 =	sadd.s32 $0x10, s28;
	_ =	swait.ge [sflag:s22], $0x2000  }
0x42: {  	[sflag:s22] =	ssyncset.done $0x0  }
0x43: {  	[sflag:s22] =	ssyncadd.s32 $0xFFFFE000  }
0x44: {  	_ =	swait.ge [sflag:s23], $0x40  }
0x45: {  	[sflag:s23] =	ssyncset.done $0x0  }
0x46: {  	[sflag:s23] =	ssyncadd.s32 $0xFFFFFFC0  }
0x47: {  	[spmem:s3] =	stream.indirect.scatter.add.f32 [tilespmem:s17], [sflag:$0x5], $0x80, s18, s16, $0xb8;
	[tilespmem:$0x1CD00] =	vst v63  }
0x48: {  	_ =	swait.ge [sflag:s15], $0x2000  }
0x49: {  	[sflag:s15] =	ssyncset.done $0x0  }
0x4a: {  	[sflag:s15] =	ssyncadd.s32 $0xFFFFE000  }
0x4b: {  	[tilespmem:s17], [sflag:$0x1] =	stream.indirect.gather [hbm4b:s1+s16], $0x80, s29, s16, $0xb8;
	[tilespmem:$0x1CD00] =	vst v63  }
0x4c: {  	s31 =	sadd.s32 s30, s12  }
0x4d: {  	[tilespmem:s18], [sflag:$0x3] =	stream.linear.gather [hbm4b:s31+s4], $0x40, $0x38;
	[tilespmem:$0x1CD00] =	vst v63  }
0x4e: {  	_ =	swait.ge [sflag:s24], $0x2000  }
0x4f: {  	[sflag:s24] =	ssyncset.done $0x0  }
0x50: {  	[sflag:s24] =	ssyncadd.s32 $0xFFFFE000  }
0x51: {  	_ =	swait.ge [sflag:s25], $0x40  }
0x52: {  	[sflag:s25] =	ssyncset.done $0x0  }
0x53: {  	[sflag:s25] =	ssyncadd.s32 $0xFFFFFFC0  }
0x54: {  	[spmem:s3] =	stream.indirect.scatter.add.f32 [tilespmem:s20], [sflag:$0x5], $0x80, s21, s16, $0xb8;
	[tilespmem:$0x1CD00] =	vst v63  }
.Ltmp0:
0x55: {  	_ =	swait.ge [sflag:s15], $0x2000;
	(pc) =	sbr.rel @p0 .LBB2_2-.Ltmp0, $4  }
0x56: {  	[sflag:s15] =	ssyncset.done $0x0  }
0x57: {  	s31 =	sadd.s32 $0x80, s29;
	[sflag:s15] =	ssyncadd.s32 $0xFFFFE000  }
0x58: {  	[tilespmem:s20], [sflag:$0x2] =	stream.indirect.gather [hbm4b:s1+s16], $0x80, s31, s16, $0xb8;
	[tilespmem:$0x1CD00] =	vst v63  }
0x59: {  	s30 =	sadd.s32 s30, s13;
	s29 =	sadd.s32 $0x100, s29  }
0x5a: {  	[tilespmem:s21], [sflag:$0x4] =	stream.linear.gather [hbm4b:s30+s4], $0x40, $0x38;
	[tilespmem:$0x1CD00] =	vst v63  }
0x5b: {  	_ =	swait.ge [sflag:s22], $0x2000  }
0x5c: {  	[sflag:s22] =	ssyncset.done $0x0  }
0x5d: {  	[sflag:s22] =	ssyncadd.s32 $0xFFFFE000  }
0x5e: {  	_ =	swait.ge [sflag:s23], $0x40  }
0x5f: {  	[sflag:s23] =	ssyncset.done $0x0  }
0x60: {  	[sflag:s23] =	ssyncadd.s32 $0xFFFFFFC0  }
0x61: {  	[spmem:s3] =	stream.indirect.scatter.add.f32 [tilespmem:s17], [sflag:$0x5], $0x80, s18, s16, $0xb8;
	[tilespmem:$0x1CD00] =	vst v63  }
0x62: {  	_ =	swait.ge [sflag:s15], $0x2000  }
0x63: {  	[sflag:s15] =	ssyncset.done $0x0  }
0x64: {  	[sflag:s15] =	ssyncadd.s32 $0xFFFFE000  }
0x65: {  	_ =	swait.ge [sflag:s24], $0x2000  }
0x66: {  	[sflag:s24] =	ssyncset.done $0x0  }
0x67: {  	[sflag:s24] =	ssyncadd.s32 $0xFFFFE000  }
0x68: {  	_ =	swait.ge [sflag:s25], $0x40  }
0x69: {  	[sflag:s25] =	ssyncset.done $0x0  }
0x6a: {  	[sflag:s25] =	ssyncadd.s32 $0xFFFFFFC0  }
0x6b: {  	[spmem:s3] =	stream.indirect.scatter.add.f32 [tilespmem:s20], [sflag:$0x5], $0x80, s21, s16, $0xb8;
	[tilespmem:$0x1CD00] =	vst v63  }
0x6c: {  	_ =	swait.ge [sflag:s15], $0x2000  }
0x6d: {  	s26 =	sadd.s32 $0x1, s26;
	[sflag:s15] =	ssyncset.done $0x0  }
0x6e: {  	p0 =	sne.s32 s26, s11;
	[sflag:s15] =	ssyncadd.s32 $0xFFFFE000  }
.Ltmp1:
0x6f: {  	[bflag:$0x0] =	sbarrier.arrive $0xFFFF;
	(pc) =	sbr.rel @p0 .LBB2_1-.Ltmp1, $4  }
0x70: {  	[hbm:s10], [sflag:s6] =	dma.local [spmem:s14], $0x2780  }
0x71: {  	_ =	swait.ge [sflag:s15], $0x2780  }
0x72: {  	[sflag:s15] =	ssyncset.done $0x0  }
0x73: {  	[sflag:s15] =	ssyncadd.s32 $0xFFFFD880  }
0x74: {  	_ =	sfence.sel $0x180000  }
0x75: {  	[bflag:$0x0] =	sbarrier.arrive $0xFFFF  }
0x76: {  	p0 =	sne.s32 s0, $0x0;
	_ =	strace $0x9000004A  }
0x77: {  	s0 =	sadd.s32 @!p0 $0x100000, s2;
	[bflag:$0x2] =	sbarrier.arrive $0xFFFF  }
0x78: {  	[sflag:s0] =	ssyncadd.tile.s32 @!p0 $0x1;
	_ =	shalt  }
.Lfunc_end2:
_tile_overlayer_lowered:
.L_overlay_start_2:
0x79: {  	(tag) =	ssettag $0x2  }
0x7a: {  	s0 =	rddreg [dreg:$0x0];
	s2 =	stileid.u32  }
0x7b: {  	s1 =	rddreg [dreg:$0x1];
	p0 =	sne.s32 s2, $0x0  }
0x7c: {  	s3 =	rddreg [dreg:$0x2];
	[bflag:$0x3] =	sbarrier.arrive $0xFFFF;
	s2 =	simm.s32 @!p0 $0x1C05  }
0x7d: {  	[timem:s3], [sflag:s2] =	dma.local @!p0 [hbm:s0], s1  }
0x7e: {  	s0 =	simm.s32 @!p0 $0x5  }
0x7f: {  	_ =	swait.ge @!p0 [sflag:s0], s1  }
0x80: {  	s1 =	ssub.s32 @!p0 $0x0, s1;
	[sflag:s0] =	ssyncset.done @!p0 $0x0  }
0x81: {  	[sflag:s0] =	ssyncadd.s32 @!p0 s1  }
0x82: {  	[bflag:$0x3] =	sbarrier.arrive $0xFFFF  }
0x83: {  	_ =	shalt  }

// kernel: kernel.13.cloned.1.call-start
scs
__scs_entry_jumppad:
0x0: {  	(pc) =	sbr.rel $0x88, $3  }
0x1: {  	(tag) =	ssettag $0x0;
	lr =	simm.s32 $0x1  }
0x2: {  	[smem:$0x3F99] =	sst lr;
	_ =	strace $0xD0000000  }
0x3: {  	_ = 	snop  }
0x4: {  	_ = 	snop  }
0x5: {  	_ = 	snop  }
0x6: {  	_ = 	snop  }
0x7: {  	_ = 	snop  }
__scs_overlays_trampoline_lowered:
0x8: {  	[smem:$0x3FA8] =	sst s0  }
0x9: {  	[smem:$0x3FA9] =	sst s1  }
0xa: {  	[smem:$0x3FAA] =	sst s2  }
0xb: {  	[smem:$0x3FAB] =	sst s3  }
0xc: {  	[smem:$0x3FAC] =	sst s4  }
0xd: {  	[smem:$0x3FAD] =	sst s5  }
0xe: {  	[smem:$0x3FAE] =	sst s6  }
0xf: {  	[smem:$0x3FAF] =	sst s7  }
0x10: {  	[smem:$0x3FB0] =	sst s8  }
0x11: {  	[smem:$0x3FB1] =	sst s9;
	s0 =	simm.s32 @!p0 $0x0  }
0x12: {  	s1 =	sld [smem:$0x3F97];
	s0 =	simm.s32 @p0 $0x1  }
0x13: {  	[smem:$0x3FB2] =	sst s0;
	s0 =	simm.s32 @!p1 $0x0  }
0x14: {  	s2 =	sld [smem:$0x3F96];
	s0 =	simm.s32 @p1 $0x1  }
0x15: {  	[smem:$0x3FB3] =	sst s0;
	s0 =	simm.s32 @!p2 $0x0  }
0x16: {  	s3 =	sld [smem:$0x3FDB];
	s0 =	simm.s32 @p2 $0x1  }
0x17: {  	s4 =	simm.s32 $0x1BF5;
	[smem:$0x3FB5] =	sst s0  }
0x18: {  	s0 =	sld [smem:$0x3F98];
	_ =	swait.ge [sflag:s4], $0x0  }
0x19: {  	s7 =	sld [smem:$0x3F99]  }
0x1a: {  	s8 =	sadd.s32 $0xFFFFE003, lr  }
0x1b: {  	s9 =	sadd.s32 $0xFFFFFEF7, lr;
	s5 =	simm.s32 $0xFFFFFFFF;
	p2 =	slt.u32 s8, $0xFFFFF086  }
0x1c: {  	p1 =	slt.u32 s9, $0xF7A;
	s5 =	simm.s32 @!p2 $0x0  }
0x1d: {  	s5 =	simm.s32 @p1 $0x1;
	p0 =	seq.s32 s7, s2  }
0x1e: {  	s7 =	smul.u32 @!p0 $0xF7A, s2;
	p2 =	seq.s32 @!p0 s5, $0x0  }
0x1f: {  	s9 =	smul.u32 $0xF7A, s1;
	s8 =	simm.s32 @!p0 $0x1BF5;
	p2 =	por !p2, p0  }
0x20: {  	[sflag:s8] =	ssyncset.s32 @!p0 $0xFFFFF086;
	s6 =	sadd.s32 @!p0 s3, s7;
	s7 =	simm.s32 @!p0 $0x108  }
0x21: {  	s3 =	sadd.s32 s3, s9;
	s6 =	sadd.s32 @!p0 $0x88, s6;
	s7 =	simm.s32 @p2 $0x1082  }
0x22: {  	[simem:s7], [sflag:s8] =	dma.local @!p0 [hbm:s6], $0xF7A  }
0x23: {  	s9 =	sor.u32 $0xD0000000, s2;
	s6 =	simm.s32 $0x108;
	_ =	swait.ge @!p0 [sflag:s8], $0x0  }
0x24: {  	s3 =	sadd.s32 $0x88, s3;
	s6 =	simm.s32 @!p1 $0x1082;
	[sflag:s4] =	ssyncset.s32 $0xFFFFF086  }
0x25: {  	[simem:s6], [sflag:s4] =	dma.local [hbm:s3], $0xF7A  }
0x26: {  	[smem:$0x3F99] =	sst s1;
	(tag) =	ssettag s2;
	_ =	strace s9  }
0x27: {  	s1 =	sld [smem:$0x3FA9]  }
0x28: {  	s2 =	sld [smem:$0x3FAA]  }
0x29: {  	s4 =	sld [smem:$0x3FAC]  }
0x2a: {  	p0 =	seq.s32 s5, $0x0;
	s5 =	sld [smem:$0x3FAD]  }
0x2b: {  	s6 =	sld [smem:$0x3FAE]  }
0x2c: {  	s7 =	sld [smem:$0x3FAF]  }
0x2d: {  	s3 =	simm.s32 $0x108;
	s8 =	sld [smem:$0x3FB0]  }
0x2e: {  	s3 =	simm.s32 @!p0 $0x1082;
	s9 =	sld [smem:$0x3FB1]  }
0x2f: {  	lr =	sadd.s32 s0, s3;
	s0 =	sld [smem:$0x3FA8]  }
0x30: {  	s3 =	sld [smem:$0x3FAB]  }
0x31: {  	[smem:$0x3FB4] =	sst s10  }
0x32: {  	s10 =	sld [smem:$0x3FB2];
	_ =	sdelay $0x3  }
0x33: {  	p0 =	seq.s32 s10, $0x1;
	s10 =	sld [smem:$0x3FB4];
	_ =	sdelay $0x3  }
0x34: {  	[smem:$0x3FB4] =	sst s10  }
0x35: {  	s10 =	sld [smem:$0x3FB3];
	_ =	sdelay $0x3  }
0x36: {  	p1 =	seq.s32 s10, $0x1;
	s10 =	sld [smem:$0x3FB4];
	_ =	sdelay $0x3  }
0x37: {  	[smem:$0x3FB4] =	sst s10  }
0x38: {  	s10 =	sld [smem:$0x3FB5]  }
0x39: {  	_ = 	snop;
	(pc) =	sbr.ind lr, $3  }
0x3a: {  	_ = 	snop  }
0x3b: {  	_ = 	snop  }
0x3c: {  	p2 =	seq.s32 s10, $0x1;
	s10 =	sld [smem:$0x3FB4]  }
0x3d: {  	_ =	shalt  }
0x3e: {  	_ =	shalt  }
0x3f: {  	_ =	shalt  }
0x40: {  	_ =	shalt  }
0x41: {  	_ =	shalt  }
0x42: {  	_ =	shalt  }
0x43: {  	_ =	shalt  }
0x44: {  	_ =	shalt  }
0x45: {  	_ =	shalt  }
0x46: {  	_ =	shalt  }
0x47: {  	_ =	shalt  }
0x48: {  	_ =	shalt  }
0x49: {  	_ =	shalt  }
0x4a: {  	_ =	shalt  }
0x4b: {  	_ =	shalt  }
0x4c: {  	_ =	shalt  }
0x4d: {  	_ =	shalt  }
0x4e: {  	_ =	shalt  }
0x4f: {  	_ =	shalt  }
0x50: {  	_ =	shalt  }
0x51: {  	_ =	shalt  }
0x52: {  	_ =	shalt  }
0x53: {  	_ =	shalt  }
0x54: {  	_ =	shalt  }
0x55: {  	_ =	shalt  }
0x56: {  	_ =	shalt  }
0x57: {  	_ =	shalt  }
0x58: {  	_ =	shalt  }
0x59: {  	_ =	shalt  }
0x5a: {  	_ =	shalt  }
0x5b: {  	_ =	shalt  }
0x5c: {  	_ =	shalt  }
0x5d: {  	_ =	shalt  }
0x5e: {  	_ =	shalt  }
0x5f: {  	_ =	shalt  }
0x60: {  	_ =	shalt  }
0x61: {  	_ =	shalt  }
0x62: {  	_ =	shalt  }
0x63: {  	_ =	shalt  }
0x64: {  	_ =	shalt  }
0x65: {  	_ =	shalt  }
0x66: {  	_ =	shalt  }
0x67: {  	_ =	shalt  }
0x68: {  	_ =	shalt  }
0x69: {  	_ =	shalt  }
0x6a: {  	_ =	shalt  }
0x6b: {  	_ =	shalt  }
0x6c: {  	_ =	shalt  }
0x6d: {  	_ =	shalt  }
0x6e: {  	_ =	shalt  }
0x6f: {  	_ =	shalt  }
0x70: {  	_ =	shalt  }
0x71: {  	_ =	shalt  }
0x72: {  	_ =	shalt  }
0x73: {  	_ =	shalt  }
0x74: {  	_ =	shalt  }
0x75: {  	_ =	shalt  }
0x76: {  	_ =	shalt  }
0x77: {  	_ =	shalt  }
0x78: {  	_ =	shalt  }
0x79: {  	_ =	shalt  }
0x7a: {  	_ =	shalt  }
0x7b: {  	_ =	shalt  }
0x7c: {  	_ =	shalt  }
0x7d: {  	_ =	shalt  }
0x7e: {  	_ =	shalt  }
0x7f: {  	_ =	shalt  }
0x80: {  	_ =	shalt  }
0x81: {  	_ =	shalt  }
0x82: {  	_ =	shalt  }
0x83: {  	_ =	shalt  }
0x84: {  	_ =	shalt  }
0x85: {  	_ =	shalt  }
0x86: {  	_ =	shalt  }
0x87: {  	_ =	shalt  }
.Lfunc_end0:
.L_simem_size_0:
called_computation.2_lowered:
.L_overlay_start_0:
0x88: {  	s2 =	sld [smem:$0x3FD9]  }
0x89: {  	s3 =	sld [smem:$0x3FFE];
	_ =	sdelay $0x1  }
0x8a: {  	s1 =	srdreg.scid  }
0x8b: {  	s0 =	sand.u32 $0x1, s1  }
0x8c: {  	s17 =	sshll.u32 s0, $0xA;
	s2 =	sadd.s32 s3, s2  }
0x8d: {  	s2 =	sadd.s32 s2, s17  }
0x8e: {  	[smem:$0x3FC0] =	sst s2  }
0x8f: {  	_ = 	snop  }
0x90: {  	s2 =	sld [smem:$0x3FD0];
	(tm) =	ssettm $0x1  }
0x91: {  	s18 =	sld [smem:$0x3FFB];
	_ =	sdelay $0x3  }
0x92: {  	_ =	strace s18  }
0x93: {  	s3 =	sld [smem:$0x3FFC];
	_ =	sdelay $0x3  }
0x94: {  	_ =	strace s3  }
0x95: {  	s3 =	sld [smem:$0x3FFD];
	_ =	sdelay $0x3  }
0x96: {  	_ =	strace s3  }
0x97: {  	_ =	strace $0x8FFFFFFF  }
0x98: {  	s19 =	sld [smem:$0x3FDB];
	_ =	sdelay $0x1  }
0x99: {  	s4 =	simm.s32 $_scs_section_size  }
0x9a: {  	s5 =	simm.s32 $_size__tile_overlayer_lowered;
	s6 =	simm.s32 $_tile_overlayer_lowered  }
0x9b: {  	s22 =	simm.s32 $0x1BFF;
	s21 =	sshll.u32 s6, $0x1;
	s3 =	sadd.s32 s4, s19  }
0x9c: {  	s7 =	simm.s32 $0x0;
	s20 =	sshll.u32 s5, $0x1;
	s5 =	sadd.s32 s21, s3  }
0x9d: {  	[timem:s7], [sflag:s22] =	dma.local [hbm:s5], s20  }
0x9e: {  	_ =	swait.ge [sflag:s22], s20  }
0x9f: {  	s4 =	ssub.s32 $0x0, s20;
	[sflag:s22] =	ssyncset.done $0x0  }
0xa0: {  	[sflag:s22] =	ssyncadd.s32 s4;
	_ =	sdelay $0x1  }
0xa1: {  	s23 =	simm.s32 $0x1B8B  }
0xa2: {  	_ =	swait.ge [sflag:s23], $0x1  }
0xa3: {  	[sflag:s23] =	ssyncset.done $0x0  }
0xa4: {  	s25 =	simm.s32 $0x1B8E;
	s24 =	sld [smem:$0x3FFE];
	[sflag:s23] =	ssyncadd.s32 $0xFFFFFFFF  }
0xa5: {  	s26 =	simm.s32 $execute0_lowered;
	[smem:$0x3FD2] =	sst s25  }
0xa6: {  	s5 =	sshll.u32 s26, $0x1;
	_ =	strace $0x8000004C;
	[dreg:$0x1] =	wrdreg $0xFFFFFFFF  }
0xa7: {  	s28 =	simm.s32 $_size_execute0_lowered;
	s3 =	sadd.s32 s3, s5;
	[dreg:$0x0] =	wrdreg $0x0  }
0xa8: {  	s5 =	sshll.u32 s28, $0x1;
	[dreg:$0x2] =	wrdreg s3  }
0xa9: {  	[dreg:$0x3] =	wrdreg s5  }
0xaa: {  	[dreg:$0x4] =	wrdreg $0xC0  }
0xab: {  	_ =	task [dreg:s7], $0x5FFFF  }
0xac: {  	[dreg:$0x1] =	wrdreg $0xFFFFFFFF  }
0xad: {  	[dreg:$0x0] =	wrdreg $0x60  }
0xae: {  	[dreg:$0x2] =	wrdreg s2  }
0xaf: {  	[dreg:$0x3] =	wrdreg s24  }
0xb0: {  	[dreg:$0x4] =	wrdreg $0x91000  }
0xb1: {  	[dreg:$0x5] =	wrdreg $0x9  }
0xb2: {  	_ =	task.clear_ibuf [dreg:s7], $0x6FFFF;
	_ =	strace $0x9000004C  }
0xb3: {  	s29 =	simm.s32 $0x9;
	_ =	strace $0x8000004E  }
0xb4: {  	_ =	swait.ge [sflag:s29], $0x1  }
0xb5: {  	[sflag:s29] =	ssyncadd.s32 $0xFFFFFFFF  }
0xb6: {  	_ =	strace $0x9000004E  }
0xb7: {  	_ =	sfence  }
0xb8: {  	s30 =	sld [smem:$0x0];
	_ =	sdelay $0x2  }
0xb9: {  	s31 =	sshll.u32 s1, $0xD;
	s1 =	sshrl.u32 s1, $0x2  }
0xba: {  	s3 =	sand.u32 $0x4000, s31;
	s1 =	sadd.s32 s1, s30  }
0xbb: {  	s0 =	sor.u32 s3, s0;
	s1 =	sshll.u32 s1, $0x11  }
0xbc: {  	s0 =	sor.u32 s1, s0  }
0xbd: {  	s0 =	sadd.s32 $0x8F2B, s0  }
0xbe: {  	[sflag:s0] =	ssyncadd.remote.s32 $0x1  }
0xbf: {  	_ =	sfence.sel $0xFFFF  }
0xc0: {  	[dreg:$0x0] =	wrdreg $0xFFFFFFFF;
	(pc) =	sbr.abs _section_cstart, $3  }
0xc1: {  	[dreg:$0x1] =	wrdreg $0xFFFFFFFF  }
0xc2: {  	_ =	task.clear_ibuf [dreg:s7], $0x2FFFF;
	_ =	strace $0x9FFFFFFF  }
0xc3: {  	(tm) =	ssettm $0x7FFFFFFF  }
tec
execute0_lowered:
.L_overlay_start_1:
0x0: {  	(tag) =	ssettag $0x1  }
0x1: {  	s1 =	rddreg [dreg:$0x0]  }
0x2: {  	s0 =	srdreg.scid;
	s6 =	rddreg [dreg:$0x1]  }
0x3: {  	s3 =	rddreg [dreg:$0x2];
	s4 =	simm.s32 $0x0;
	s17 =	simm.s32 $0x5000  }
0x4: {  	s18 =	simm.s32 $0x9000;
	s19 =	simm.s32 $0x80;
	s20 =	simm.s32 $0x7000  }
0x5: {  	s21 =	simm.s32 $0x9080;
	s5 =	sand.u32 $0x1, s0;
	s0 =	stileid.u32  }
0x6: {  	s22 =	simm.s32 $0x1;
	s23 =	simm.s32 $0x3;
	s9 =	smul.u32 $0x13C00, s0  }
0x7: {  	s24 =	simm.s32 $0x2;
	s25 =	simm.s32 $0x4;
	s10 =	smul.u32 $0x13C000, s5  }
0x8: {  	[smem:$0x7FF] =	sst s4;
	s13 =	sadd.s32 $0x2200, s6;
	s11 =	smul.u32 $0x4F000, s0  }
0x9: {  	s2 =	sshll.u32 s5, $0x4;
	s26 =	ssub.s32 $0x2, s5;
	s28 =	smul.u32 $0x28000, s5  }
0xa: {  	s29 =	sshll.u32 s0, $0x6;
	s15 =	smul.u32 $0x2800, s0;
	s7 =	sor.u32 s0, s2  }
0xb: {  	s2 =	rddreg [dreg:$0x3];
	_ =	strace $0x8000004D;
	s12 =	sshrl.u32 s26, $0x1  }
0xc: {  	s8 =	smul.u32 $0xA00, s7;
	s10 =	sadd.s32 s9, s10;
	s9 =	sshrl.u32 s9, $0x3  }
0xd: {  	s7 =	smul.u32 $0x2800, s7;
	s11 =	sshrl.u32 s11, $0x2;
	s12 =	ssub.s32 s26, s12  }
0xe: {  	s26 =	simm.s32 $0x0;
	s10 =	sshrl.u32 s10, $0x3;
	s9 =	sadd.s32 s9, s6  }
0xf: {  	s14 =	sadd.s32 s11, s3;
	s11 =	sadd.s32 s15, s28;
	s8 =	sadd.s32 s8, s6  }
0x10: {  	s10 =	sadd.s32 s10, s6;
	s7 =	sshrl.u32 s7, $0x3;
	s5 =	sadd.s32 $0xC600, s9  }
0x11: {  	s6 =	sor.u32 $0x1C05, s29;
	s15 =	sor.u32 $0x80, s11;
	s16 =	sor.u32 $0xC0, s11  }
0x12: {  	s11 =	smax.u32 s12, $0x1;
	s14 =	sshrl.u32 s14, $0x3;
	s7 =	sadd.s32 s13, s7  }
0x13: {  	s8 =	sadd.s32 $0x82E00, s8;
	s10 =	sadd.s32 $0x96E00, s10;
	s30 =	sshrl.u32 s15, $0x3  }
0x14: {  	s31 =	sshrl.u32 s16, $0x3;
	s15 =	simm.s32 $0x5;
	s16 =	simm.s32 $0x40  }
0x15: {  	s9 =	sadd.s32 $0x8, s7;
	s12 =	sadd.s32 s30, s13;
	s13 =	sadd.s32 s31, s13  }
.LBB2_1:
0x16: {  	[spmem:s14], [sflag:s6] =	dma.local [hbm:s5], $0x2780  }
0x17: {  	_ =	swait.ge [sflag:s15], $0x2780  }
0x18: {  	[sflag:s15] =	ssyncset.done $0x0  }
0x19: {  	[sflag:s15] =	ssyncadd.s32 $0xFFFFD880  }
0x1a: {  	[tilespmem:s4], [sflag:$0x5] =	stream.linear.gather [hbm4b:s8+s4], $0x5000, $0x38;
	[tilespmem:$0x1CD00] =	vst v63  }
0x1b: {  	_ =	swait.ge [sflag:s15], $0x5000  }
0x1c: {  	[sflag:s15] =	ssyncset.done $0x0  }
0x1d: {  	[sflag:s15] =	ssyncadd.s32 $0xFFFFB000  }
0x1e: {  	[bflag:$0x0] =	sbarrier.arrive $0xFFFF  }
0x1f: {  	[tilespmem:s17], [sflag:$0x1] =	stream.indirect.gather [hbm4b:s1+s16], $0x80, s4, s16, $0xb8;
	[tilespmem:$0x1CD00] =	vst v63  }
0x20: {  	_ = 	snop  }
0x21: {  	[tilespmem:s18], [sflag:$0x3] =	stream.linear.gather [hbm4b:s7+s4], $0x40, $0x38;
	[tilespmem:$0x1CD00] =	vst v63  }
0x22: {  	_ = 	snop  }
0x23: {  	[tilespmem:s20], [sflag:$0x2] =	stream.indirect.gather [hbm4b:s1+s16], $0x80, s19, s16, $0xb8;
	[tilespmem:$0x1CD00] =	vst v63  }
0x24: {  	_ = 	snop  }
0x25: {  	[tilespmem:s21], [sflag:$0x4] =	stream.linear.gather [hbm4b:s9+s4], $0x40, $0x38;
	[tilespmem:$0x1CD00] =	vst v63  }
0x26: {  	_ =	swait.ge [sflag:s22], $0x2000  }
0x27: {  	[sflag:s22] =	ssyncset.done $0x0  }
0x28: {  	[sflag:s22] =	ssyncadd.s32 $0xFFFFE000  }
0x29: {  	_ =	swait.ge [sflag:s23], $0x40  }
0x2a: {  	[sflag:s23] =	ssyncset.done $0x0  }
0x2b: {  	[sflag:s23] =	ssyncadd.s32 $0xFFFFFFC0  }
0x2c: {  	[spmem:s3] =	stream.indirect.scatter.add.f32 [tilespmem:s17], [sflag:$0x5], $0x80, s18, s16, $0xb8;
	[tilespmem:$0x1CD00] =	vst v63  }
0x2d: {  	_ =	swait.ge [sflag:s15], $0x2000  }
0x2e: {  	[sflag:s15] =	ssyncset.done $0x0  }
0x2f: {  	s28 =	simm.s32 $0x100;
	[sflag:s15] =	ssyncadd.s32 $0xFFFFE000  }
0x30: {  	[tilespmem:s17], [sflag:$0x1] =	stream.indirect.gather [hbm4b:s1+s16], $0x80, s28, s16, $0xb8;
	[tilespmem:$0x1CD00] =	vst v63  }
0x31: {  	s28 =	sadd.s32 $0x0, s12  }
0x32: {  	[tilespmem:s18], [sflag:$0x3] =	stream.linear.gather [hbm4b:s28+s4], $0x40, $0x38;
	[tilespmem:$0x1CD00] =	vst v63  }
0x33: {  	_ =	swait.ge [sflag:s24], $0x2000  }
0x34: {  	[sflag:s24] =	ssyncset.done $0x0  }
0x35: {  	[sflag:s24] =	ssyncadd.s32 $0xFFFFE000  }
0x36: {  	_ =	swait.ge [sflag:s25], $0x40  }
0x37: {  	[sflag:s25] =	ssyncset.done $0x0  }
0x38: {  	[sflag:s25] =	ssyncadd.s32 $0xFFFFFFC0  }
0x39: {  	[spmem:s3] =	stream.indirect.scatter.add.f32 [tilespmem:s20], [sflag:$0x5], $0x80, s21, s16, $0xb8;
	[tilespmem:$0x1CD00] =	vst v63  }
0x3a: {  	_ =	swait.ge [sflag:s15], $0x2000  }
0x3b: {  	[sflag:s15] =	ssyncset.done $0x0  }
0x3c: {  	s28 =	simm.s32 $0x180;
	[sflag:s15] =	ssyncadd.s32 $0xFFFFE000  }
0x3d: {  	[tilespmem:s20], [sflag:$0x2] =	stream.indirect.gather [hbm4b:s1+s16], $0x80, s28, s16, $0xb8;
	[tilespmem:$0x1CD00] =	vst v63  }
0x3e: {  	s30 =	sadd.s32 $0x0, s13;
	s29 =	simm.s32 $0x200;
	s28 =	simm.s32 $0x10  }
.LBB2_2:
0x3f: {  	[tilespmem:s21], [sflag:$0x4] =	stream.linear.gather [hbm4b:s30+s4], $0x40, $0x38;
	[tilespmem:$0x1CD00] =	vst v63  }
0x40: {  	s30 =	smov.u32 s28  }
0x41: {  	p0 =	sne.s32 s28, $0x4E0;
	s28 =	sadd.s32 $0x10, s28;
	_ =	swait.ge [sflag:s22], $0x2000  }
0x42: {  	[sflag:s22] =	ssyncset.done $0x0  }
0x43: {  	[sflag:s22] =	ssyncadd.s32 $0xFFFFE000  }
0x44: {  	_ =	swait.ge [sflag:s23], $0x40  }
0x45: {  	[sflag:s23] =	ssyncset.done $0x0  }
0x46: {  	[sflag:s23] =	ssyncadd.s32 $0xFFFFFFC0  }
0x47: {  	[spmem:s3] =	stream.indirect.scatter.add.f32 [tilespmem:s17], [sflag:$0x5], $0x80, s18, s16, $0xb8;
	[tilespmem:$0x1CD00] =	vst v63  }
0x48: {  	_ =	swait.ge [sflag:s15], $0x2000  }
0x49: {  	[sflag:s15] =	ssyncset.done $0x0  }
0x4a: {  	[sflag:s15] =	ssyncadd.s32 $0xFFFFE000  }
0x4b: {  	[tilespmem:s17], [sflag:$0x1] =	stream.indirect.gather [hbm4b:s1+s16], $0x80, s29, s16, $0xb8;
	[tilespmem:$0x1CD00] =	vst v63  }
0x4c: {  	s31 =	sadd.s32 s30, s12  }
0x4d: {  	[tilespmem:s18], [sflag:$0x3] =	stream.linear.gather [hbm4b:s31+s4], $0x40, $0x38;
	[tilespmem:$0x1CD00] =	vst v63  }
0x4e: {  	_ =	swait.ge [sflag:s24], $0x2000  }
0x4f: {  	[sflag:s24] =	ssyncset.done $0x0  }
0x50: {  	[sflag:s24] =	ssyncadd.s32 $0xFFFFE000  }
0x51: {  	_ =	swait.ge [sflag:s25], $0x40  }
0x52: {  	[sflag:s25] =	ssyncset.done $0x0  }
0x53: {  	[sflag:s25] =	ssyncadd.s32 $0xFFFFFFC0  }
0x54: {  	[spmem:s3] =	stream.indirect.scatter.add.f32 [tilespmem:s20], [sflag:$0x5], $0x80, s21, s16, $0xb8;
	[tilespmem:$0x1CD00] =	vst v63  }
.Ltmp0:
0x55: {  	_ =	swait.ge [sflag:s15], $0x2000;
	(pc) =	sbr.rel @p0 .LBB2_2-.Ltmp0, $4  }
0x56: {  	[sflag:s15] =	ssyncset.done $0x0  }
0x57: {  	s31 =	sadd.s32 $0x80, s29;
	[sflag:s15] =	ssyncadd.s32 $0xFFFFE000  }
0x58: {  	[tilespmem:s20], [sflag:$0x2] =	stream.indirect.gather [hbm4b:s1+s16], $0x80, s31, s16, $0xb8;
	[tilespmem:$0x1CD00] =	vst v63  }
0x59: {  	s30 =	sadd.s32 s30, s13;
	s29 =	sadd.s32 $0x100, s29  }
0x5a: {  	[tilespmem:s21], [sflag:$0x4] =	stream.linear.gather [hbm4b:s30+s4], $0x40, $0x38;
	[tilespmem:$0x1CD00] =	vst v63  }
0x5b: {  	_ =	swait.ge [sflag:s22], $0x2000  }
0x5c: {  	[sflag:s22] =	ssyncset.done $0x0  }
0x5d: {  	[sflag:s22] =	ssyncadd.s32 $0xFFFFE000  }
0x5e: {  	_ =	swait.ge [sflag:s23], $0x40  }
0x5f: {  	[sflag:s23] =	ssyncset.done $0x0  }
0x60: {  	[sflag:s23] =	ssyncadd.s32 $0xFFFFFFC0  }
0x61: {  	[spmem:s3] =	stream.indirect.scatter.add.f32 [tilespmem:s17], [sflag:$0x5], $0x80, s18, s16, $0xb8;
	[tilespmem:$0x1CD00] =	vst v63  }
0x62: {  	_ =	swait.ge [sflag:s15], $0x2000  }
0x63: {  	[sflag:s15] =	ssyncset.done $0x0  }
0x64: {  	[sflag:s15] =	ssyncadd.s32 $0xFFFFE000  }
0x65: {  	_ =	swait.ge [sflag:s24], $0x2000  }
0x66: {  	[sflag:s24] =	ssyncset.done $0x0  }
0x67: {  	[sflag:s24] =	ssyncadd.s32 $0xFFFFE000  }
0x68: {  	_ =	swait.ge [sflag:s25], $0x40  }
0x69: {  	[sflag:s25] =	ssyncset.done $0x0  }
0x6a: {  	[sflag:s25] =	ssyncadd.s32 $0xFFFFFFC0  }
0x6b: {  	[spmem:s3] =	stream.indirect.scatter.add.f32 [tilespmem:s20], [sflag:$0x5], $0x80, s21, s16, $0xb8;
	[tilespmem:$0x1CD00] =	vst v63  }
0x6c: {  	_ =	swait.ge [sflag:s15], $0x2000  }
0x6d: {  	s26 =	sadd.s32 $0x1, s26;
	[sflag:s15] =	ssyncset.done $0x0  }
0x6e: {  	p0 =	sne.s32 s26, s11;
	[sflag:s15] =	ssyncadd.s32 $0xFFFFE000  }
.Ltmp1:
0x6f: {  	[bflag:$0x0] =	sbarrier.arrive $0xFFFF;
	(pc) =	sbr.rel @p0 .LBB2_1-.Ltmp1, $4  }
0x70: {  	[hbm:s10], [sflag:s6] =	dma.local [spmem:s14], $0x2780  }
0x71: {  	_ =	swait.ge [sflag:s15], $0x2780  }
0x72: {  	[sflag:s15] =	ssyncset.done $0x0  }
0x73: {  	[sflag:s15] =	ssyncadd.s32 $0xFFFFD880  }
0x74: {  	_ =	sfence.sel $0x180000  }
0x75: {  	[bflag:$0x0] =	sbarrier.arrive $0xFFFF  }
0x76: {  	p0 =	sne.s32 s0, $0x0;
	_ =	strace $0x9000004D  }
0x77: {  	s0 =	sadd.s32 @!p0 $0x100000, s2;
	[bflag:$0x2] =	sbarrier.arrive $0xFFFF  }
0x78: {  	[sflag:s0] =	ssyncadd.tile.s32 @!p0 $0x1;
	_ =	shalt  }
.Lfunc_end2:
_tile_overlayer_lowered:
.L_overlay_start_2:
0x79: {  	(tag) =	ssettag $0x2  }
0x7a: {  	s0 =	rddreg [dreg:$0x0];
	s2 =	stileid.u32  }
0x7b: {  	s1 =	rddreg [dreg:$0x1];
	p0 =	sne.s32 s2, $0x0  }
0x7c: {  	s3 =	rddreg [dreg:$0x2];
	[bflag:$0x3] =	sbarrier.arrive $0xFFFF;
	s2 =	simm.s32 @!p0 $0x1C05  }
0x7d: {  	[timem:s3], [sflag:s2] =	dma.local @!p0 [hbm:s0], s1  }
0x7e: {  	s0 =	simm.s32 @!p0 $0x5  }
0x7f: {  	_ =	swait.ge @!p0 [sflag:s0], s1  }
0x80: {  	s1 =	ssub.s32 @!p0 $0x0, s1;
	[sflag:s0] =	ssyncset.done @!p0 $0x0  }
0x81: {  	[sflag:s0] =	ssyncadd.s32 @!p0 s1  }
0x82: {  	[bflag:$0x3] =	sbarrier.arrive $0xFFFF  }
0x83: {  	_ =	shalt  }

// kernel: kernel.7.cloned.1.call-start
scs
__scs_entry_jumppad:
0x0: {  	(pc) =	sbr.rel $0x88, $3  }
0x1: {  	(tag) =	ssettag $0x0;
	lr =	simm.s32 $0x1  }
0x2: {  	[smem:$0x3F99] =	sst lr;
	_ =	strace $0xD0000000  }
0x3: {  	_ = 	snop  }
0x4: {  	_ = 	snop  }
0x5: {  	_ = 	snop  }
0x6: {  	_ = 	snop  }
0x7: {  	_ = 	snop  }
__scs_overlays_trampoline_lowered:
0x8: {  	[smem:$0x3FA8] =	sst s0  }
0x9: {  	[smem:$0x3FA9] =	sst s1  }
0xa: {  	[smem:$0x3FAA] =	sst s2  }
0xb: {  	[smem:$0x3FAB] =	sst s3  }
0xc: {  	[smem:$0x3FAC] =	sst s4  }
0xd: {  	[smem:$0x3FAD] =	sst s5  }
0xe: {  	[smem:$0x3FAE] =	sst s6  }
0xf: {  	[smem:$0x3FAF] =	sst s7  }
0x10: {  	[smem:$0x3FB0] =	sst s8  }
0x11: {  	[smem:$0x3FB1] =	sst s9;
	s0 =	simm.s32 @!p0 $0x0  }
0x12: {  	s1 =	sld [smem:$0x3F97];
	s0 =	simm.s32 @p0 $0x1  }
0x13: {  	[smem:$0x3FB2] =	sst s0;
	s0 =	simm.s32 @!p1 $0x0  }
0x14: {  	s2 =	sld [smem:$0x3F96];
	s0 =	simm.s32 @p1 $0x1  }
0x15: {  	[smem:$0x3FB3] =	sst s0;
	s0 =	simm.s32 @!p2 $0x0  }
0x16: {  	s3 =	sld [smem:$0x3FDB];
	s0 =	simm.s32 @p2 $0x1  }
0x17: {  	s4 =	simm.s32 $0x1BF5;
	[smem:$0x3FB5] =	sst s0  }
0x18: {  	s0 =	sld [smem:$0x3F98];
	_ =	swait.ge [sflag:s4], $0x0  }
0x19: {  	s7 =	sld [smem:$0x3F99]  }
0x1a: {  	s8 =	sadd.s32 $0xFFFFE003, lr  }
0x1b: {  	s9 =	sadd.s32 $0xFFFFFEF7, lr;
	s5 =	simm.s32 $0xFFFFFFFF;
	p2 =	slt.u32 s8, $0xFFFFF086  }
0x1c: {  	p1 =	slt.u32 s9, $0xF7A;
	s5 =	simm.s32 @!p2 $0x0  }
0x1d: {  	s5 =	simm.s32 @p1 $0x1;
	p0 =	seq.s32 s7, s2  }
0x1e: {  	s7 =	smul.u32 @!p0 $0xF7A, s2;
	p2 =	seq.s32 @!p0 s5, $0x0  }
0x1f: {  	s9 =	smul.u32 $0xF7A, s1;
	s8 =	simm.s32 @!p0 $0x1BF5;
	p2 =	por !p2, p0  }
0x20: {  	[sflag:s8] =	ssyncset.s32 @!p0 $0xFFFFF086;
	s6 =	sadd.s32 @!p0 s3, s7;
	s7 =	simm.s32 @!p0 $0x108  }
0x21: {  	s3 =	sadd.s32 s3, s9;
	s6 =	sadd.s32 @!p0 $0x88, s6;
	s7 =	simm.s32 @p2 $0x1082  }
0x22: {  	[simem:s7], [sflag:s8] =	dma.local @!p0 [hbm:s6], $0xF7A  }
0x23: {  	s9 =	sor.u32 $0xD0000000, s2;
	s6 =	simm.s32 $0x108;
	_ =	swait.ge @!p0 [sflag:s8], $0x0  }
0x24: {  	s3 =	sadd.s32 $0x88, s3;
	s6 =	simm.s32 @!p1 $0x1082;
	[sflag:s4] =	ssyncset.s32 $0xFFFFF086  }
0x25: {  	[simem:s6], [sflag:s4] =	dma.local [hbm:s3], $0xF7A  }
0x26: {  	[smem:$0x3F99] =	sst s1;
	(tag) =	ssettag s2;
	_ =	strace s9  }
0x27: {  	s1 =	sld [smem:$0x3FA9]  }
0x28: {  	s2 =	sld [smem:$0x3FAA]  }
0x29: {  	s4 =	sld [smem:$0x3FAC]  }
0x2a: {  	p0 =	seq.s32 s5, $0x0;
	s5 =	sld [smem:$0x3FAD]  }
0x2b: {  	s6 =	sld [smem:$0x3FAE]  }
0x2c: {  	s7 =	sld [smem:$0x3FAF]  }
0x2d: {  	s3 =	simm.s32 $0x108;
	s8 =	sld [smem:$0x3FB0]  }
0x2e: {  	s3 =	simm.s32 @!p0 $0x1082;
	s9 =	sld [smem:$0x3FB1]  }
0x2f: {  	lr =	sadd.s32 s0, s3;
	s0 =	sld [smem:$0x3FA8]  }
0x30: {  	s3 =	sld [smem:$0x3FAB]  }
0x31: {  	[smem:$0x3FB4] =	sst s10  }
0x32: {  	s10 =	sld [smem:$0x3FB2];
	_ =	sdelay $0x3  }
0x33: {  	p0 =	seq.s32 s10, $0x1;
	s10 =	sld [smem:$0x3FB4];
	_ =	sdelay $0x3  }
0x34: {  	[smem:$0x3FB4] =	sst s10  }
0x35: {  	s10 =	sld [smem:$0x3FB3];
	_ =	sdelay $0x3  }
0x36: {  	p1 =	seq.s32 s10, $0x1;
	s10 =	sld [smem:$0x3FB4];
	_ =	sdelay $0x3  }
0x37: {  	[smem:$0x3FB4] =	sst s10  }
0x38: {  	s10 =	sld [smem:$0x3FB5]  }
0x39: {  	_ = 	snop;
	(pc) =	sbr.ind lr, $3  }
0x3a: {  	_ = 	snop  }
0x3b: {  	_ = 	snop  }
0x3c: {  	p2 =	seq.s32 s10, $0x1;
	s10 =	sld [smem:$0x3FB4]  }
0x3d: {  	_ =	shalt  }
0x3e: {  	_ =	shalt  }
0x3f: {  	_ =	shalt  }
0x40: {  	_ =	shalt  }
0x41: {  	_ =	shalt  }
0x42: {  	_ =	shalt  }
0x43: {  	_ =	shalt  }
0x44: {  	_ =	shalt  }
0x45: {  	_ =	shalt  }
0x46: {  	_ =	shalt  }
0x47: {  	_ =	shalt  }
0x48: {  	_ =	shalt  }
0x49: {  	_ =	shalt  }
0x4a: {  	_ =	shalt  }
0x4b: {  	_ =	shalt  }
0x4c: {  	_ =	shalt  }
0x4d: {  	_ =	shalt  }
0x4e: {  	_ =	shalt  }
0x4f: {  	_ =	shalt  }
0x50: {  	_ =	shalt  }
0x51: {  	_ =	shalt  }
0x52: {  	_ =	shalt  }
0x53: {  	_ =	shalt  }
0x54: {  	_ =	shalt  }
0x55: {  	_ =	shalt  }
0x56: {  	_ =	shalt  }
0x57: {  	_ =	shalt  }
0x58: {  	_ =	shalt  }
0x59: {  	_ =	shalt  }
0x5a: {  	_ =	shalt  }
0x5b: {  	_ =	shalt  }
0x5c: {  	_ =	shalt  }
0x5d: {  	_ =	shalt  }
0x5e: {  	_ =	shalt  }
0x5f: {  	_ =	shalt  }
0x60: {  	_ =	shalt  }
0x61: {  	_ =	shalt  }
0x62: {  	_ =	shalt  }
0x63: {  	_ =	shalt  }
0x64: {  	_ =	shalt  }
0x65: {  	_ =	shalt  }
0x66: {  	_ =	shalt  }
0x67: {  	_ =	shalt  }
0x68: {  	_ =	shalt  }
0x69: {  	_ =	shalt  }
0x6a: {  	_ =	shalt  }
0x6b: {  	_ =	shalt  }
0x6c: {  	_ =	shalt  }
0x6d: {  	_ =	shalt  }
0x6e: {  	_ =	shalt  }
0x6f: {  	_ =	shalt  }
0x70: {  	_ =	shalt  }
0x71: {  	_ =	shalt  }
0x72: {  	_ =	shalt  }
0x73: {  	_ =	shalt  }
0x74: {  	_ =	shalt  }
0x75: {  	_ =	shalt  }
0x76: {  	_ =	shalt  }
0x77: {  	_ =	shalt  }
0x78: {  	_ =	shalt  }
0x79: {  	_ =	shalt  }
0x7a: {  	_ =	shalt  }
0x7b: {  	_ =	shalt  }
0x7c: {  	_ =	shalt  }
0x7d: {  	_ =	shalt  }
0x7e: {  	_ =	shalt  }
0x7f: {  	_ =	shalt  }
0x80: {  	_ =	shalt  }
0x81: {  	_ =	shalt  }
0x82: {  	_ =	shalt  }
0x83: {  	_ =	shalt  }
0x84: {  	_ =	shalt  }
0x85: {  	_ =	shalt  }
0x86: {  	_ =	shalt  }
0x87: {  	_ =	shalt  }
.Lfunc_end0:
.L_simem_size_0:
called_computation_lowered:
.L_overlay_start_0:
0x88: {  	s2 =	sld [smem:$0x3FD9]  }
0x89: {  	s3 =	sld [smem:$0x3FFE];
	_ =	sdelay $0x1  }
0x8a: {  	s1 =	srdreg.scid  }
0x8b: {  	s0 =	sand.u32 $0x1, s1  }
0x8c: {  	s17 =	sshll.u32 s0, $0xA;
	s2 =	sadd.s32 s3, s2  }
0x8d: {  	s2 =	sadd.s32 s2, s17  }
0x8e: {  	[smem:$0x3FC0] =	sst s2  }
0x8f: {  	_ = 	snop  }
0x90: {  	s2 =	sld [smem:$0x3FD0];
	(tm) =	ssettm $0x1  }
0x91: {  	s18 =	sld [smem:$0x3FFB];
	_ =	sdelay $0x3  }
0x92: {  	_ =	strace s18  }
0x93: {  	s3 =	sld [smem:$0x3FFC];
	_ =	sdelay $0x3  }
0x94: {  	_ =	strace s3  }
0x95: {  	s3 =	sld [smem:$0x3FFD];
	_ =	sdelay $0x3  }
0x96: {  	_ =	strace s3  }
0x97: {  	_ =	strace $0x8FFFFFFF  }
0x98: {  	s19 =	sld [smem:$0x3FDB];
	_ =	sdelay $0x1  }
0x99: {  	s4 =	simm.s32 $_scs_section_size  }
0x9a: {  	s5 =	simm.s32 $_size__tile_overlayer_lowered;
	s6 =	simm.s32 $_tile_overlayer_lowered  }
0x9b: {  	s22 =	simm.s32 $0x1BFF;
	s21 =	sshll.u32 s6, $0x1;
	s3 =	sadd.s32 s4, s19  }
0x9c: {  	s7 =	simm.s32 $0x0;
	s20 =	sshll.u32 s5, $0x1;
	s5 =	sadd.s32 s21, s3  }
0x9d: {  	[timem:s7], [sflag:s22] =	dma.local [hbm:s5], s20  }
0x9e: {  	_ =	swait.ge [sflag:s22], s20  }
0x9f: {  	s4 =	ssub.s32 $0x0, s20;
	[sflag:s22] =	ssyncset.done $0x0  }
0xa0: {  	[sflag:s22] =	ssyncadd.s32 s4;
	_ =	sdelay $0x1  }
0xa1: {  	s23 =	simm.s32 $0x1B8B  }
0xa2: {  	_ =	swait.ge [sflag:s23], $0x1  }
0xa3: {  	[sflag:s23] =	ssyncset.done $0x0  }
0xa4: {  	s25 =	simm.s32 $0x1B8E;
	s24 =	sld [smem:$0x3FFE];
	[sflag:s23] =	ssyncadd.s32 $0xFFFFFFFF  }
0xa5: {  	s26 =	simm.s32 $execute0_lowered;
	[smem:$0x3FD2] =	sst s25  }
0xa6: {  	s5 =	sshll.u32 s26, $0x1;
	_ =	strace $0x80000046;
	[dreg:$0x1] =	wrdreg $0xFFFFFFFF  }
0xa7: {  	s28 =	simm.s32 $_size_execute0_lowered;
	s3 =	sadd.s32 s3, s5;
	[dreg:$0x0] =	wrdreg $0x0  }
0xa8: {  	s5 =	sshll.u32 s28, $0x1;
	[dreg:$0x2] =	wrdreg s3  }
0xa9: {  	[dreg:$0x3] =	wrdreg s5  }
0xaa: {  	[dreg:$0x4] =	wrdreg $0xC0  }
0xab: {  	_ =	task [dreg:s7], $0x5FFFF  }
0xac: {  	[dreg:$0x1] =	wrdreg $0xFFFFFFFF  }
0xad: {  	[dreg:$0x0] =	wrdreg $0x60  }
0xae: {  	[dreg:$0x2] =	wrdreg s2  }
0xaf: {  	[dreg:$0x3] =	wrdreg s24  }
0xb0: {  	[dreg:$0x4] =	wrdreg $0x70000  }
0xb1: {  	[dreg:$0x5] =	wrdreg $0x9  }
0xb2: {  	_ =	task.clear_ibuf [dreg:s7], $0x6FFFF;
	_ =	strace $0x90000046  }
0xb3: {  	s29 =	simm.s32 $0x9;
	_ =	strace $0x80000048  }
0xb4: {  	_ =	swait.ge [sflag:s29], $0x1  }
0xb5: {  	[sflag:s29] =	ssyncadd.s32 $0xFFFFFFFF  }
0xb6: {  	_ =	strace $0x90000048  }
0xb7: {  	_ =	sfence  }
0xb8: {  	s30 =	sld [smem:$0x0];
	_ =	sdelay $0x2  }
0xb9: {  	s31 =	sshll.u32 s1, $0xD;
	s1 =	sshrl.u32 s1, $0x2  }
0xba: {  	s3 =	sand.u32 $0x4000, s31;
	s1 =	sadd.s32 s1, s30  }
0xbb: {  	s0 =	sor.u32 s3, s0;
	s1 =	sshll.u32 s1, $0x11  }
0xbc: {  	s0 =	sor.u32 s1, s0  }
0xbd: {  	s0 =	sadd.s32 $0x8F2B, s0  }
0xbe: {  	[sflag:s0] =	ssyncadd.remote.s32 $0x1  }
0xbf: {  	_ =	sfence.sel $0xFFFF  }
0xc0: {  	[dreg:$0x0] =	wrdreg $0xFFFFFFFF;
	(pc) =	sbr.abs _section_cstart, $3  }
0xc1: {  	[dreg:$0x1] =	wrdreg $0xFFFFFFFF  }
0xc2: {  	_ =	task.clear_ibuf [dreg:s7], $0x2FFFF;
	_ =	strace $0x9FFFFFFF  }
0xc3: {  	(tm) =	ssettm $0x7FFFFFFF  }
tec
execute0_lowered:
.L_overlay_start_1:
0x0: {  	(tag) =	ssettag $0x1  }
0x1: {  	s7 =	rddreg [dreg:$0x0]  }
0x2: {  	s5 =	rddreg [dreg:$0x1];
	s0 =	stileid.u32  }
0x3: {  	s1 =	srdreg.scid;
	s2 =	rddreg [dreg:$0x2]  }
0x4: {  	s3 =	simm.s32 $0x0;
	s13 =	simm.s32 $0x40;
	s14 =	simm.s32 $0x0  }
0x5: {  	s4 =	smul.u32 $0x13C00, s0;
	s6 =	sand.u32 $0x1, s1;
	s1 =	rddreg [dreg:$0x3]  }
0x6: {  	[smem:$0x7FF] =	sst s3;
	s11 =	smul.u32 $0x4F000, s0;
	s31 =	sshll.u32 s0, $0x6  }
0x7: {  	s8 =	smul.u32 $0x13C000, s6;
	_ =	strace $0x80000047;
	s10 =	ssub.s32 $0x2, s6  }
0x8: {  	s6 =	sshll.u32 s6, $0x4;
	s9 =	sshrl.u32 s4, $0x3;
	s28 =	sshrl.u32 s10, $0x1  }
0x9: {  	s6 =	sor.u32 s0, s6;
	s29 =	sshrl.u32 s11, $0x2;
	s11 =	simm.s32 $0x1  }
0xa: {  	s8 =	sadd.s32 s4, s8;
	s9 =	sadd.s32 s9, s5;
	s4 =	sadd.s32 $0xC200, s5  }
0xb: {  	s10 =	ssub.s32 s10, s28;
	s30 =	smul.u32 $0xA00, s6;
	s8 =	sshrl.u32 s8, $0x3  }
0xc: {  	s12 =	sadd.s32 s29, s2;
	s6 =	sor.u32 $0x1C01, s31;
	s8 =	sadd.s32 s8, s5  }
0xd: {  	s5 =	sadd.s32 $0xC600, s9;
	s7 =	sadd.s32 s7, s30;
	s9 =	smax.u32 s10, $0x1  }
0xe: {  	s10 =	sshrl.u32 s12, $0x3;
	s12 =	simm.s32 $0x5000;
	s8 =	sadd.s32 $0x33E00, s8  }
.LBB2_1:
0xf: {  	[spmem:s10], [sflag:s6] =	dma.local [hbm:s5], $0x2780  }
0x10: {  	_ =	swait.ge [sflag:s11], $0x2780  }
0x11: {  	[sflag:s11] =	ssyncset.done $0x0  }
0x12: {  	[sflag:s11] =	ssyncadd.s32 $0xFFFFD880  }
0x13: {  	[tilespmem:s12], [sflag:$0x1] =	stream.linear.gather [hbm4b:s4+s3], $0x2000, $0x38;
	[tilespmem:$0x1AC00] =	vst v63  }
0x14: {  	_ =	swait.ge [sflag:s11], $0x2000  }
0x15: {  	[sflag:s11] =	ssyncset.done $0x0  }
0x16: {  	[sflag:s11] =	ssyncadd.s32 $0xFFFFE000  }
0x17: {  	[tilespmem:s3], [sflag:$0x1] =	stream.linear.gather [hbm4b:s7+s3], $0x5000, $0x38;
	[tilespmem:$0x1AC00] =	vst v63  }
0x18: {  	_ =	swait.ge [sflag:s11], $0x5000  }
0x19: {  	[sflag:s11] =	ssyncset.done $0x0  }
0x1a: {  	[sflag:s11] =	ssyncadd.s32 $0xFFFFB000  }
0x1b: {  	s15 =	simm.s32 $0x0;
	[bflag:$0x0] =	sbarrier.arrive $0xFFFF  }
0x1c: {  	[spmem:s2] =	stream.indirect.scatter.add.f32 [tilespmem:s12], [sflag:$0x1], $0x80, s15, s13, $0xb8;
	[tilespmem:$0x1AC00] =	vst v63  }
0x1d: {  	_ =	swait.ge [sflag:s11], $0x2000  }
0x1e: {  	s15 =	simm.s32 $0x200;
	[sflag:s11] =	ssyncset.done $0x0  }
.LBB2_2:
0x1f: {  	s16 =	sshra.s32 s15, $0x2;
	[sflag:s11] =	ssyncadd.s32 $0xFFFFE000;
	p0 =	sne.s32 s15, $0x13E00  }
0x20: {  	[spmem:s2] =	stream.indirect.scatter.add.f32 [tilespmem:s12], [sflag:$0x1], $0x80, s16, s13, $0xb8;
	[tilespmem:$0x1AC00] =	vst v63  }
.Ltmp0:
0x21: {  	_ = 	snop;
	(pc) =	sbr.rel @p0 .LBB2_2-.Ltmp0, $4  }
0x22: {  	_ = 	snop  }
0x23: {  	s15 =	sadd.s32 $0x200, s15  }
0x24: {  	_ =	swait.ge [sflag:s11], $0x2000  }
0x25: {  	[sflag:s11] =	ssyncset.done $0x0  }
0x26: {  	s14 =	sadd.s32 $0x1, s14  }
0x27: {  	[sflag:s11] =	ssyncadd.s32 $0xFFFFE000;
	p0 =	sne.s32 s14, s9  }
.Ltmp1:
0x28: {  	[bflag:$0x0] =	sbarrier.arrive $0xFFFF;
	(pc) =	sbr.rel @p0 .LBB2_1-.Ltmp1, $4  }
0x29: {  	[hbm:s8], [sflag:s6] =	dma.local [spmem:s10], $0x2780  }
0x2a: {  	_ =	swait.ge [sflag:s11], $0x2780  }
0x2b: {  	[sflag:s11] =	ssyncset.done $0x0  }
0x2c: {  	[sflag:s11] =	ssyncadd.s32 $0xFFFFD880  }
0x2d: {  	_ =	sfence.sel $0x180000  }
0x2e: {  	[bflag:$0x0] =	sbarrier.arrive $0xFFFF  }
0x2f: {  	p0 =	sne.s32 s0, $0x0;
	_ =	strace $0x90000047  }
0x30: {  	s0 =	sadd.s32 @!p0 $0x100000, s1;
	[bflag:$0x2] =	sbarrier.arrive $0xFFFF  }
0x31: {  	[sflag:s0] =	ssyncadd.tile.s32 @!p0 $0x1;
	_ =	shalt  }
.Lfunc_end2:
_tile_overlayer_lowered:
.L_overlay_start_2:
0x32: {  	(tag) =	ssettag $0x2  }
0x33: {  	s0 =	rddreg [dreg:$0x0];
	s2 =	stileid.u32  }
0x34: {  	s1 =	rddreg [dreg:$0x1];
	p0 =	sne.s32 s2, $0x0  }
0x35: {  	s3 =	rddreg [dreg:$0x2];
	[bflag:$0x3] =	sbarrier.arrive $0xFFFF;
	s2 =	simm.s32 @!p0 $0x1C01  }
0x36: {  	[timem:s3], [sflag:s2] =	dma.local @!p0 [hbm:s0], s1  }
0x37: {  	s0 =	simm.s32 @!p0 $0x1  }
0x38: {  	_ =	swait.ge @!p0 [sflag:s0], s1  }
0x39: {  	s1 =	ssub.s32 @!p0 $0x0, s1;
	[sflag:s0] =	ssyncset.done @!p0 $0x0  }
0x3a: {  	[sflag:s0] =	ssyncadd.s32 @!p0 s1  }
0x3b: {  	[bflag:$0x3] =	sbarrier.arrive $0xFFFF  }
0x3c: {  	_ =	shalt  }

</sc_bundles>
